<compile_context>
chip_gen: v7x
topology: tpu7x:2x2x1
jax: 0.10.2.dev20260603
libtpu: 0.0.44.dev20260713+nightly
codegen_flags: <defaults>
</compile_context>

<pallas_src>
import jax
import jax.numpy as jnp
from jax import lax
from jax.experimental import pallas as pl
from jax.experimental.pallas import tpu as pltpu
from jax.experimental.pallas import tpu_sc as plsc

NN = 10000
D = 256
E = 160000
HALF = 144
QCOL = 112
NC, NS = 2, 16
CH = 128
NCHUNK = 80
RING = 8
NRING = NCHUNK // RING
EPT = NCHUNK * CH
EPAD = EPT * NS
ACC_ROWS = 10112
STRIPE = ACC_ROWS // NS
TCR = 1000


def _tc1_body(n_ref, w1t_ref, w2_ref, t_ref):
    n = n_ref[...]
    h = jnp.tanh(jnp.dot(n, w1t_ref[...], preferred_element_type=jnp.float32))
    e = jnp.sum(h * w2_ref[...], axis=1, keepdims=True)
    q = jnp.exp(e)
    qn = q * n
    t_ref[0] = qn[:, :HALF]
    t_ref[1] = jnp.concatenate(
        [qn[:, HALF:], q, jnp.zeros((TCR, HALF - QCOL - 1), jnp.float32)],
        axis=1)


def _tc1(n, w1t, w2):
    return pl.pallas_call(
        _tc1_body,
        grid=(NN // TCR,),
        in_specs=[
            pl.BlockSpec((TCR, D), lambda i: (i, 0)),
            pl.BlockSpec((D, D), lambda i: (0, 0)),
            pl.BlockSpec((1, D), lambda i: (0, 0)),
        ],
        out_specs=pl.BlockSpec((2, TCR, HALF), lambda i: (0, i, 0)),
        out_shape=jax.ShapeDtypeStruct((2, NN, HALF), jnp.float32),
    )(n, w1t, w2)


def _sc_body(t_hbm, src_hbm, dst_hbm, out_hbm, srcr, dstr, rows0, rows1,
             acc, gsem0, gsem1):
    c = lax.axis_index("c")
    s = lax.axis_index("s")
    off = c * NN

    def _z(i, _):
        for j in range(HALF // 16):
            rows0[i, pl.ds(j * 16, 16)] = jnp.zeros((16,), jnp.float32)
        return 0
    lax.fori_loop(0, CH, _z, 0)
    base = s * STRIPE
    for r in range(0, STRIPE - CH + 1, CH):
        pltpu.sync_copy(rows0, acc.at[pl.ds(base + r, CH)])
    rem = STRIPE % CH
    if rem:
        pltpu.sync_copy(rows0.at[pl.ds(0, rem)],
                        acc.at[pl.ds(base + STRIPE - rem, rem)])
    plsc.subcore_barrier()

    def _ring(r, _):
        ro = pl.multiple_of(r * RING, 8)
        pltpu.sync_copy(src_hbm.at[s].at[pl.ds(ro, RING)], srcr)
        pltpu.sync_copy(dst_hbm.at[s].at[pl.ds(ro, RING)], dstr)

        def _bias(i, _):
            for j in range(CH // 16):
                sl = pl.ds(j * 16, 16)
                srcr[i, sl] = srcr[i, sl] + off
            return 0
        lax.fori_loop(0, RING, _bias, 0)

        rows = (rows0, rows1)
        gsem = (gsem0, gsem1)
        gd = [None] * RING
        gd[0] = pltpu.async_copy(t_hbm.at[srcr.at[0]], rows[0], gsem[0])
        for k in range(RING):
            b = k % 2
            if k + 1 < RING:
                gd[k + 1] = pltpu.async_copy(
                    t_hbm.at[srcr.at[k + 1]], rows[1 - b], gsem[1 - b])
            gd[k].wait()
            pltpu.sync_copy(rows[b], acc.at[dstr.at[k]], add=True)
        return 0
    lax.fori_loop(0, NRING, _ring, 0)
    plsc.subcore_barrier()

    pltpu.sync_copy(acc.at[pl.ds(base, STRIPE)],
                    out_hbm.at[c].at[pl.ds(base, STRIPE)])


def _sc_call():
    return pl.kernel(
        _sc_body,
        out_type=jax.ShapeDtypeStruct((NC, ACC_ROWS, HALF), jnp.float32),
        mesh=plsc.VectorSubcoreMesh(
            core_axis_name="c", subcore_axis_name="s", num_cores=NC,
            num_subcores=NS),
        scratch_types=[
            pltpu.VMEM((RING, CH), jnp.int32),
            pltpu.VMEM((RING, CH), jnp.int32),
            pltpu.VMEM((CH, HALF), jnp.float32),
            pltpu.VMEM((CH, HALF), jnp.float32),
            pltpu.VMEM_SHARED((ACC_ROWS, HALF), jnp.float32),
            pltpu.SemaphoreType.DMA,
            pltpu.SemaphoreType.DMA,
        ],
        compiler_params=pltpu.CompilerParams(use_tc_tiling_on_sc=False),
    )


def _tc2_body(o_ref, out_ref):
    o0 = o_ref[0]
    o1 = o_ref[1]
    ssum = o1[:, QCOL:QCOL + 1]
    inv = jnp.where(ssum > 0, 1.0 / ssum, 0.0)
    out_ref[...] = jnp.concatenate([o0 * inv, o1[:, :QCOL] * inv], axis=1)


def _tc2(o):
    return pl.pallas_call(
        _tc2_body,
        grid=(NN // TCR,),
        in_specs=[pl.BlockSpec((NC, TCR, HALF), lambda i: (0, i, 0))],
        out_specs=pl.BlockSpec((TCR, D), lambda i: (i, 0)),
        out_shape=jax.ShapeDtypeStruct((NN, D), jnp.float32),
    )(o)


def kernel(N, edge_index, W1, W2):
    src = edge_index[0]
    dst = edge_index[1]
    pad = EPAD - E
    src3 = jnp.concatenate(
        [src, jnp.zeros((pad,), jnp.int32)]).reshape(NS, NCHUNK, CH)
    dst3 = jnp.concatenate(
        [dst, jnp.full((pad,), NN, jnp.int32)]).reshape(NS, NCHUNK, CH)
    t = _tc1(N, W1.T, W2)
    out = _sc_call()(t.reshape(NC * NN, HALF), src3, dst3)
    return _tc2(out)

# --- scband reference (transcript-rebuilt; emitter-appended) ---
"""Pipeline reference for scband-local-node-gatlayer-57140244906495 (READ-ONLY COPY).

The authoritative reference and input builder live on the scoring server;
editing this copy changes nothing except your own understanding.
"""

import jax, jax.numpy as jnp
import numpy as np

N_NODES = 10000
D = 256
N_EDGES = 160000


def setup_inputs(seed: int = 0) -> dict:
    key = jax.random.key(seed)
    k1, k2, k3, k4 = jax.random.split(key, 4)
    N = jax.random.normal(k1, (N_NODES, D), dtype=jnp.float32)
    edge_index = jax.random.randint(k2, (2, N_EDGES), 0, N_NODES, dtype=jnp.int32)
    # Learned parameters: fc1 (D->D, no bias), fc2 (D->1, no bias)
    bound1 = 1.0 / np.sqrt(D)
    W1 = jax.random.uniform(k3, (D, D), dtype=jnp.float32, minval=-bound1, maxval=bound1)
    W2 = jax.random.uniform(k4, (1, D), dtype=jnp.float32, minval=-bound1, maxval=bound1)
    return {"N": N, "edge_index": edge_index, "W1": W1, "W2": W2}


def reference(N, edge_index, W1, W2):
    src = edge_index[0]
    dst = edge_index[1]
    num_nodes = N.shape[0]
    # message_func: e = fc2(tanh(fc1(src_N))), carry src N
    h_src = N[src]                        # gather [E, D]
    h = jnp.tanh(h_src @ W1.T)            # [E, D]
    e = (h @ W2.T)[:, 0]                  # [E]
    # reduce_func: softmax over incoming edges per dst node (numerically stable)
    e_max = jax.ops.segment_max(e, dst, num_segments=num_nodes)
    e_exp = jnp.exp(e - e_max[dst])
    denom = jax.ops.segment_sum(e_exp, dst, num_segments=num_nodes)
    a = e_exp / denom[dst]                # [E]
    out = jax.ops.segment_sum(a[:, None] * h_src, dst, num_segments=num_nodes)
    return out

if __name__ == "__main__":
    import jax
    _d = setup_inputs()
    print(jax.jit(kernel)(*tuple(_d.values())))

</pallas_src>

<mosaic_0001>
#map = affine_map<(d0, d1) -> (0, 0)>
#map1 = affine_map<(d0, d1) -> (0, 0, 0)>
module attributes {stable_mosaic.version = 14 : i64} {
  func.func @_sc_body(%arg0: i32, %arg1: i32, %arg2: memref<20000x144xf32, #tpu.memory_space<hbm>>, %arg3: memref<16x80x128xi32, #tpu.memory_space<hbm>>, %arg4: memref<16x80x128xi32, #tpu.memory_space<hbm>>, %arg5: memref<2x10112x144xf32, #tpu.memory_space<hbm>>, %arg6: memref<8x128xi32, #tpu.memory_space<vmem>>, %arg7: memref<8x128xi32, #tpu.memory_space<vmem>>, %arg8: memref<128x144xf32, #tpu.memory_space<vmem>>, %arg9: memref<128x144xf32, #tpu.memory_space<vmem>>, %arg10: memref<10112x144xf32, #tpu.memory_space<vmem_shared>>, %arg11: memref<!tpu.dma_semaphore, #tpu.memory_space<semaphore_mem>>, %arg12: memref<!tpu.dma_semaphore, #tpu.memory_space<semaphore_mem>>) attributes {dimension_semantics = [#tpu.dimension_semantics<core_parallel>, #tpu.dimension_semantics<subcore_parallel>], iteration_bounds = array<i64: 2, 16>, scalar_prefetch = 0 : i64, scratch_operands = 7 : i64, tpu.core_type = #tpu.core_type<sc_vector_subcore>, window_params = [{transform_indices = #map}, {transform_indices = #map1}, {transform_indices = #map1}, {transform_indices = #map1}]} {
    %mul3A = arith.constant 10000 : i32
    %mul3A_0 = arith.muli %arg0, %mul3A : i32
    %scan3A = arith.constant 0 : i32
    %scan3A_1 = arith.constant 0 : i32
    %scan3A_2 = arith.constant 128 : i32
    %scan3A_3 = arith.addi %scan3A_1, %scan3A_2 : i32
    %scan3A_4 = arith.constant 1 : i32
    %scan3A_5 = scf.for %scan3A_27 = %scan3A_1 to %scan3A_3 step %scan3A_4 iter_args(%scan3A_28 = %scan3A) -> (i32)  : i32 {
      %broadcast_in_dim3A = arith.constant 0.000000e+00 : f32
      %broadcast_in_dim3A_29 = vector.broadcast %broadcast_in_dim3A : f32 to vector<16xf32>
      %swap3A = arith.index_cast %scan3A_27 : i32 to index
      %swap3A_30 = arith.constant 0 : index
      %swap3A_31 = tpu.vector_load %arg8[%swap3A, %swap3A_30] {strides = array<i32>} : memref<128x144xf32, #tpu.memory_space<vmem>>, vector<1x16xf32>,
      %swap3A_32 = vector.shape_cast %swap3A_31 : vector<1x16xf32> to vector<16xf32>
      %swap3A_33 = vector.shape_cast %broadcast_in_dim3A_29 : vector<16xf32> to vector<1x16xf32>
      tpu.vector_store %arg8[%swap3A, %swap3A_30], %swap3A_33 {strides = array<i32>} : memref<128x144xf32, #tpu.memory_space<vmem>>, vector<1x16xf32>,
      %broadcast_in_dim3A_34 = arith.constant 0.000000e+00 : f32
      %broadcast_in_dim3A_35 = vector.broadcast %broadcast_in_dim3A_34 : f32 to vector<16xf32>
      %swap3A_36 = arith.index_cast %scan3A_27 : i32 to index
      %swap3A_37 = arith.constant 16 : index
      %swap3A_38 = tpu.vector_load %arg8[%swap3A_36, %swap3A_37] {strides = array<i32>} : memref<128x144xf32, #tpu.memory_space<vmem>>, vector<1x16xf32>,
      %swap3A_39 = vector.shape_cast %swap3A_38 : vector<1x16xf32> to vector<16xf32>
      %swap3A_40 = vector.shape_cast %broadcast_in_dim3A_35 : vector<16xf32> to vector<1x16xf32>
      tpu.vector_store %arg8[%swap3A_36, %swap3A_37], %swap3A_40 {strides = array<i32>} : memref<128x144xf32, #tpu.memory_space<vmem>>, vector<1x16xf32>,
      %broadcast_in_dim3A_41 = arith.constant 0.000000e+00 : f32
      %broadcast_in_dim3A_42 = vector.broadcast %broadcast_in_dim3A_41 : f32 to vector<16xf32>
      %swap3A_43 = arith.index_cast %scan3A_27 : i32 to index
      %swap3A_44 = arith.constant 32 : index
      %swap3A_45 = tpu.vector_load %arg8[%swap3A_43, %swap3A_44] {strides = array<i32>} : memref<128x144xf32, #tpu.memory_space<vmem>>, vector<1x16xf32>,
      %swap3A_46 = vector.shape_cast %swap3A_45 : vector<1x16xf32> to vector<16xf32>
      %swap3A_47 = vector.shape_cast %broadcast_in_dim3A_42 : vector<16xf32> to vector<1x16xf32>
      tpu.vector_store %arg8[%swap3A_43, %swap3A_44], %swap3A_47 {strides = array<i32>} : memref<128x144xf32, #tpu.memory_space<vmem>>, vector<1x16xf32>,
      %broadcast_in_dim3A_48 = arith.constant 0.000000e+00 : f32
      %broadcast_in_dim3A_49 = vector.broadcast %broadcast_in_dim3A_48 : f32 to vector<16xf32>
      %swap3A_50 = arith.index_cast %scan3A_27 : i32 to index
      %swap3A_51 = arith.constant 48 : index
      %swap3A_52 = tpu.vector_load %arg8[%swap3A_50, %swap3A_51] {strides = array<i32>} : memref<128x144xf32, #tpu.memory_space<vmem>>, vector<1x16xf32>,
      %swap3A_53 = vector.shape_cast %swap3A_52 : vector<1x16xf32> to vector<16xf32>
      %swap3A_54 = vector.shape_cast %broadcast_in_dim3A_49 : vector<16xf32> to vector<1x16xf32>
      tpu.vector_store %arg8[%swap3A_50, %swap3A_51], %swap3A_54 {strides = array<i32>} : memref<128x144xf32, #tpu.memory_space<vmem>>, vector<1x16xf32>,
      %broadcast_in_dim3A_55 = arith.constant 0.000000e+00 : f32
      %broadcast_in_dim3A_56 = vector.broadcast %broadcast_in_dim3A_55 : f32 to vector<16xf32>
      %swap3A_57 = arith.index_cast %scan3A_27 : i32 to index
      %swap3A_58 = arith.constant 64 : index
      %swap3A_59 = tpu.vector_load %arg8[%swap3A_57, %swap3A_58] {strides = array<i32>} : memref<128x144xf32, #tpu.memory_space<vmem>>, vector<1x16xf32>,
      %swap3A_60 = vector.shape_cast %swap3A_59 : vector<1x16xf32> to vector<16xf32>
      %swap3A_61 = vector.shape_cast %broadcast_in_dim3A_56 : vector<16xf32> to vector<1x16xf32>
      tpu.vector_store %arg8[%swap3A_57, %swap3A_58], %swap3A_61 {strides = array<i32>} : memref<128x144xf32, #tpu.memory_space<vmem>>, vector<1x16xf32>,
      %broadcast_in_dim3A_62 = arith.constant 0.000000e+00 : f32
      %broadcast_in_dim3A_63 = vector.broadcast %broadcast_in_dim3A_62 : f32 to vector<16xf32>
      %swap3A_64 = arith.index_cast %scan3A_27 : i32 to index
      %swap3A_65 = arith.constant 80 : index
      %swap3A_66 = tpu.vector_load %arg8[%swap3A_64, %swap3A_65] {strides = array<i32>} : memref<128x144xf32, #tpu.memory_space<vmem>>, vector<1x16xf32>,
      %swap3A_67 = vector.shape_cast %swap3A_66 : vector<1x16xf32> to vector<16xf32>
      %swap3A_68 = vector.shape_cast %broadcast_in_dim3A_63 : vector<16xf32> to vector<1x16xf32>
      tpu.vector_store %arg8[%swap3A_64, %swap3A_65], %swap3A_68 {strides = array<i32>} : memref<128x144xf32, #tpu.memory_space<vmem>>, vector<1x16xf32>,
      %broadcast_in_dim3A_69 = arith.constant 0.000000e+00 : f32
      %broadcast_in_dim3A_70 = vector.broadcast %broadcast_in_dim3A_69 : f32 to vector<16xf32>
      %swap3A_71 = arith.index_cast %scan3A_27 : i32 to index
      %swap3A_72 = arith.constant 96 : index
      %swap3A_73 = tpu.vector_load %arg8[%swap3A_71, %swap3A_72] {strides = array<i32>} : memref<128x144xf32, #tpu.memory_space<vmem>>, vector<1x16xf32>,
      %swap3A_74 = vector.shape_cast %swap3A_73 : vector<1x16xf32> to vector<16xf32>
      %swap3A_75 = vector.shape_cast %broadcast_in_dim3A_70 : vector<16xf32> to vector<1x16xf32>
      tpu.vector_store %arg8[%swap3A_71, %swap3A_72], %swap3A_75 {strides = array<i32>} : memref<128x144xf32, #tpu.memory_space<vmem>>, vector<1x16xf32>,
      %broadcast_in_dim3A_76 = arith.constant 0.000000e+00 : f32
      %broadcast_in_dim3A_77 = vector.broadcast %broadcast_in_dim3A_76 : f32 to vector<16xf32>
      %swap3A_78 = arith.index_cast %scan3A_27 : i32 to index
      %swap3A_79 = arith.constant 112 : index
      %swap3A_80 = tpu.vector_load %arg8[%swap3A_78, %swap3A_79] {strides = array<i32>} : memref<128x144xf32, #tpu.memory_space<vmem>>, vector<1x16xf32>,
      %swap3A_81 = vector.shape_cast %swap3A_80 : vector<1x16xf32> to vector<16xf32>
      %swap3A_82 = vector.shape_cast %broadcast_in_dim3A_77 : vector<16xf32> to vector<1x16xf32>
      tpu.vector_store %arg8[%swap3A_78, %swap3A_79], %swap3A_82 {strides = array<i32>} : memref<128x144xf32, #tpu.memory_space<vmem>>, vector<1x16xf32>,
      %broadcast_in_dim3A_83 = arith.constant 0.000000e+00 : f32
      %broadcast_in_dim3A_84 = vector.broadcast %broadcast_in_dim3A_83 : f32 to vector<16xf32>
      %swap3A_85 = arith.index_cast %scan3A_27 : i32 to index
      %swap3A_86 = arith.constant 128 : index
      %swap3A_87 = tpu.vector_load %arg8[%swap3A_85, %swap3A_86] {strides = array<i32>} : memref<128x144xf32, #tpu.memory_space<vmem>>, vector<1x16xf32>,
      %swap3A_88 = vector.shape_cast %swap3A_87 : vector<1x16xf32> to vector<16xf32>
      %swap3A_89 = vector.shape_cast %broadcast_in_dim3A_84 : vector<16xf32> to vector<1x16xf32>
      tpu.vector_store %arg8[%swap3A_85, %swap3A_86], %swap3A_89 {strides = array<i32>} : memref<128x144xf32, #tpu.memory_space<vmem>>, vector<1x16xf32>,
      %scan3A_90 = arith.constant 0 : i32
      scf.yield %scan3A_90 : i32
    }
    %scan3A_6 = arith.constant 128 : i32
    %mul3A_7 = arith.constant 632 : i32
    %mul3A_8 = arith.muli %arg1, %mul3A_7 : i32
    %add3A = arith.constant 0 : i32
    %add3A_9 = arith.addi %mul3A_8, %add3A : i32
    "tpu.region"() ({
      %run_scoped3A = tpu.sem_alloc : memref<!tpu.dma_semaphore, #tpu.memory_space<semaphore_mem>>
      %dma_start3A = arith.constant 0 : i32
      %dma_start3A_27 = tpu.memref_slice %arg10[%add3A_9, %dma_start3A] : memref<10112x144xf32, #tpu.memory_space<vmem_shared>> -> memref<128x144xf32, #tpu.memory_space<vmem_shared>>
      %dma_start3A_28 = arith.constant 0 : i32
      %dma_start3A_29 = tpu.memref_slice %arg10[%add3A_9, %dma_start3A_28] : memref<10112x144xf32, #tpu.memory_space<vmem_shared>> -> memref<128x144xf32, #tpu.memory_space<vmem_shared>>
      tpu.enqueue_dma source(%arg8 : memref<128x144xf32, #tpu.memory_space<vmem>>) target(%dma_start3A_29 : memref<128x144xf32, #tpu.memory_space<vmem_shared>>) target_semaphore(%run_scoped3A : memref<!tpu.dma_semaphore, #tpu.memory_space<semaphore_mem>>)
      %dma_wait3A = arith.constant 0 : i32
      %dma_wait3A_30 = tpu.memref_slice %arg10[%add3A_9, %dma_wait3A] : memref<10112x144xf32, #tpu.memory_space<vmem_shared>> -> memref<128x144xf32, #tpu.memory_space<vmem_shared>>
      %dma_wait3A_31 = arith.constant 0 : i32
      %dma_wait3A_32 = tpu.memref_slice %arg10[%add3A_9, %dma_wait3A_31] : memref<10112x144xf32, #tpu.memory_space<vmem_shared>> -> memref<128x144xf32, #tpu.memory_space<vmem_shared>>
      tpu.wait_dma2 semaphore(%run_scoped3A : memref<!tpu.dma_semaphore, #tpu.memory_space<semaphore_mem>>) src(%arg8 : memref<128x144xf32, #tpu.memory_space<vmem>>) dst(%dma_wait3A_32 : memref<128x144xf32, #tpu.memory_space<vmem_shared>>)
      tpu.yield
    }) : () -> ()
    %add3A_10 = arith.constant 128 : i32
    %add3A_11 = arith.addi %mul3A_8, %add3A_10 : i32
    "tpu.region"() ({
      %run_scoped3A = tpu.sem_alloc : memref<!tpu.dma_semaphore, #tpu.memory_space<semaphore_mem>>
      %dma_start3A = arith.constant 0 : i32
      %dma_start3A_27 = tpu.memref_slice %arg10[%add3A_11, %dma_start3A] : memref<10112x144xf32, #tpu.memory_space<vmem_shared>> -> memref<128x144xf32, #tpu.memory_space<vmem_shared>>
      %dma_start3A_28 = arith.constant 0 : i32
      %dma_start3A_29 = tpu.memref_slice %arg10[%add3A_11, %dma_start3A_28] : memref<10112x144xf32, #tpu.memory_space<vmem_shared>> -> memref<128x144xf32, #tpu.memory_space<vmem_shared>>
      tpu.enqueue_dma source(%arg8 : memref<128x144xf32, #tpu.memory_space<vmem>>) target(%dma_start3A_29 : memref<128x144xf32, #tpu.memory_space<vmem_shared>>) target_semaphore(%run_scoped3A : memref<!tpu.dma_semaphore, #tpu.memory_space<semaphore_mem>>)
      %dma_wait3A = arith.constant 0 : i32
      %dma_wait3A_30 = tpu.memref_slice %arg10[%add3A_11, %dma_wait3A] : memref<10112x144xf32, #tpu.memory_space<vmem_shared>> -> memref<128x144xf32, #tpu.memory_space<vmem_shared>>
      %dma_wait3A_31 = arith.constant 0 : i32
      %dma_wait3A_32 = tpu.memref_slice %arg10[%add3A_11, %dma_wait3A_31] : memref<10112x144xf32, #tpu.memory_space<vmem_shared>> -> memref<128x144xf32, #tpu.memory_space<vmem_shared>>
      tpu.wait_dma2 semaphore(%run_scoped3A : memref<!tpu.dma_semaphore, #tpu.memory_space<semaphore_mem>>) src(%arg8 : memref<128x144xf32, #tpu.memory_space<vmem>>) dst(%dma_wait3A_32 : memref<128x144xf32, #tpu.memory_space<vmem_shared>>)
      tpu.yield
    }) : () -> ()
    %add3A_12 = arith.constant 256 : i32
    %add3A_13 = arith.addi %mul3A_8, %add3A_12 : i32
    "tpu.region"() ({
      %run_scoped3A = tpu.sem_alloc : memref<!tpu.dma_semaphore, #tpu.memory_space<semaphore_mem>>
      %dma_start3A = arith.constant 0 : i32
      %dma_start3A_27 = tpu.memref_slice %arg10[%add3A_13, %dma_start3A] : memref<10112x144xf32, #tpu.memory_space<vmem_shared>> -> memref<128x144xf32, #tpu.memory_space<vmem_shared>>
      %dma_start3A_28 = arith.constant 0 : i32
      %dma_start3A_29 = tpu.memref_slice %arg10[%add3A_13, %dma_start3A_28] : memref<10112x144xf32, #tpu.memory_space<vmem_shared>> -> memref<128x144xf32, #tpu.memory_space<vmem_shared>>
      tpu.enqueue_dma source(%arg8 : memref<128x144xf32, #tpu.memory_space<vmem>>) target(%dma_start3A_29 : memref<128x144xf32, #tpu.memory_space<vmem_shared>>) target_semaphore(%run_scoped3A : memref<!tpu.dma_semaphore, #tpu.memory_space<semaphore_mem>>)
      %dma_wait3A = arith.constant 0 : i32
      %dma_wait3A_30 = tpu.memref_slice %arg10[%add3A_13, %dma_wait3A] : memref<10112x144xf32, #tpu.memory_space<vmem_shared>> -> memref<128x144xf32, #tpu.memory_space<vmem_shared>>
      %dma_wait3A_31 = arith.constant 0 : i32
      %dma_wait3A_32 = tpu.memref_slice %arg10[%add3A_13, %dma_wait3A_31] : memref<10112x144xf32, #tpu.memory_space<vmem_shared>> -> memref<128x144xf32, #tpu.memory_space<vmem_shared>>
      tpu.wait_dma2 semaphore(%run_scoped3A : memref<!tpu.dma_semaphore, #tpu.memory_space<semaphore_mem>>) src(%arg8 : memref<128x144xf32, #tpu.memory_space<vmem>>) dst(%dma_wait3A_32 : memref<128x144xf32, #tpu.memory_space<vmem_shared>>)
      tpu.yield
    }) : () -> ()
    %add3A_14 = arith.constant 384 : i32
    %add3A_15 = arith.addi %mul3A_8, %add3A_14 : i32
    "tpu.region"() ({
      %run_scoped3A = tpu.sem_alloc : memref<!tpu.dma_semaphore, #tpu.memory_space<semaphore_mem>>
      %dma_start3A = arith.constant 0 : i32
      %dma_start3A_27 = tpu.memref_slice %arg10[%add3A_15, %dma_start3A] : memref<10112x144xf32, #tpu.memory_space<vmem_shared>> -> memref<128x144xf32, #tpu.memory_space<vmem_shared>>
      %dma_start3A_28 = arith.constant 0 : i32
      %dma_start3A_29 = tpu.memref_slice %arg10[%add3A_15, %dma_start3A_28] : memref<10112x144xf32, #tpu.memory_space<vmem_shared>> -> memref<128x144xf32, #tpu.memory_space<vmem_shared>>
      tpu.enqueue_dma source(%arg8 : memref<128x144xf32, #tpu.memory_space<vmem>>) target(%dma_start3A_29 : memref<128x144xf32, #tpu.memory_space<vmem_shared>>) target_semaphore(%run_scoped3A : memref<!tpu.dma_semaphore, #tpu.memory_space<semaphore_mem>>)
      %dma_wait3A = arith.constant 0 : i32
      %dma_wait3A_30 = tpu.memref_slice %arg10[%add3A_15, %dma_wait3A] : memref<10112x144xf32, #tpu.memory_space<vmem_shared>> -> memref<128x144xf32, #tpu.memory_space<vmem_shared>>
      %dma_wait3A_31 = arith.constant 0 : i32
      %dma_wait3A_32 = tpu.memref_slice %arg10[%add3A_15, %dma_wait3A_31] : memref<10112x144xf32, #tpu.memory_space<vmem_shared>> -> memref<128x144xf32, #tpu.memory_space<vmem_shared>>
      tpu.wait_dma2 semaphore(%run_scoped3A : memref<!tpu.dma_semaphore, #tpu.memory_space<semaphore_mem>>) src(%arg8 : memref<128x144xf32, #tpu.memory_space<vmem>>) dst(%dma_wait3A_32 : memref<128x144xf32, #tpu.memory_space<vmem_shared>>)
      tpu.yield
    }) : () -> ()
    %add3A_16 = arith.constant 632 : i32
    %add3A_17 = arith.addi %mul3A_8, %add3A_16 : i32
    %sub3A = arith.constant 120 : i32
    %sub3A_18 = arith.subi %add3A_17, %sub3A : i32
    "tpu.region"() ({
      %run_scoped3A = tpu.sem_alloc : memref<!tpu.dma_semaphore, #tpu.memory_space<semaphore_mem>>
      %dma_start3A = arith.constant 0 : i32
      %dma_start3A_27 = arith.constant 0 : i32
      %dma_start3A_28 = tpu.memref_slice %arg8[%dma_start3A, %dma_start3A_27] : memref<128x144xf32, #tpu.memory_space<vmem>> -> memref<120x144xf32, #tpu.memory_space<vmem>>
      %dma_start3A_29 = arith.constant 0 : i32
      %dma_start3A_30 = tpu.memref_slice %arg10[%sub3A_18, %dma_start3A_29] : memref<10112x144xf32, #tpu.memory_space<vmem_shared>> -> memref<120x144xf32, #tpu.memory_space<vmem_shared>>
      %dma_start3A_31 = arith.constant 0 : i32
      %dma_start3A_32 = tpu.memref_slice %arg10[%sub3A_18, %dma_start3A_31] : memref<10112x144xf32, #tpu.memory_space<vmem_shared>> -> memref<120x144xf32, #tpu.memory_space<vmem_shared>>
      %dma_start3A_33 = arith.constant 0 : i32
      %dma_start3A_34 = arith.constant 0 : i32
      %dma_start3A_35 = tpu.memref_slice %arg8[%dma_start3A_33, %dma_start3A_34] : memref<128x144xf32, #tpu.memory_space<vmem>> -> memref<120x144xf32, #tpu.memory_space<vmem>>
      tpu.enqueue_dma source(%dma_start3A_35 : memref<120x144xf32, #tpu.memory_space<vmem>>) target(%dma_start3A_32 : memref<120x144xf32, #tpu.memory_space<vmem_shared>>) target_semaphore(%run_scoped3A : memref<!tpu.dma_semaphore, #tpu.memory_space<semaphore_mem>>)
      %dma_wait3A = arith.constant 0 : i32
      %dma_wait3A_36 = arith.constant 0 : i32
      %dma_wait3A_37 = tpu.memref_slice %arg8[%dma_wait3A, %dma_wait3A_36] : memref<128x144xf32, #tpu.memory_space<vmem>> -> memref<120x144xf32, #tpu.memory_space<vmem>>
      %dma_wait3A_38 = arith.constant 0 : i32
      %dma_wait3A_39 = tpu.memref_slice %arg10[%sub3A_18, %dma_wait3A_38] : memref<10112x144xf32, #tpu.memory_space<vmem_shared>> -> memref<120x144xf32, #tpu.memory_space<vmem_shared>>
      %dma_wait3A_40 = arith.constant 0 : i32
      %dma_wait3A_41 = tpu.memref_slice %arg10[%sub3A_18, %dma_wait3A_40] : memref<10112x144xf32, #tpu.memory_space<vmem_shared>> -> memref<120x144xf32, #tpu.memory_space<vmem_shared>>
      %dma_wait3A_42 = arith.constant 0 : i32
      %dma_wait3A_43 = arith.constant 0 : i32
      %dma_wait3A_44 = tpu.memref_slice %arg8[%dma_wait3A_42, %dma_wait3A_43] : memref<128x144xf32, #tpu.memory_space<vmem>> -> memref<120x144xf32, #tpu.memory_space<vmem>>
      tpu.wait_dma2 semaphore(%run_scoped3A : memref<!tpu.dma_semaphore, #tpu.memory_space<semaphore_mem>>) src(%dma_wait3A_44 : memref<120x144xf32, #tpu.memory_space<vmem>>) dst(%dma_wait3A_41 : memref<120x144xf32, #tpu.memory_space<vmem_shared>>)
      tpu.yield
    }) : () -> ()
    %barrier3A = arith.constant 0 : index
    tpu.barrier barrier_id(%barrier3A)
    %scan3A_19 = arith.constant 0 : i32
    %scan3A_20 = arith.constant 0 : i32
    %scan3A_21 = arith.constant 10 : i32
    %scan3A_22 = arith.addi %scan3A_20, %scan3A_21 : i32
    %scan3A_23 = arith.constant 1 : i32
    %scan3A_24 = scf.for %scan3A_27 = %scan3A_20 to %scan3A_22 step %scan3A_23 iter_args(%scan3A_28 = %scan3A_19) -> (i32)  : i32 {
      %mul3A_29 = arith.constant 8 : i32
      %mul3A_30 = arith.muli %scan3A_27, %mul3A_29 : i32
      %multiple_of3A = tpu.assume_multiple %mul3A_30, 8 : i32
      "tpu.region"() ({
        %run_scoped3A_156 = tpu.sem_alloc : memref<!tpu.dma_semaphore, #tpu.memory_space<semaphore_mem>>
        %dma_start3A_157 = arith.constant 0 : i32
        %dma_start3A_158 = arith.constant 0 : i32
        %dma_start3A_159 = tpu.memref_slice %arg3[%arg1, %dma_start3A_157, %dma_start3A_158] : memref<16x80x128xi32, #tpu.memory_space<hbm>> -> memref<1x80x128xi32, #tpu.memory_space<hbm>>
        %dma_start3A_160 = tpu.memref_squeeze %dma_start3A_159 : memref<1x80x128xi32, #tpu.memory_space<hbm>> -> memref<80x128xi32, #tpu.memory_space<hbm>>
        %dma_start3A_161 = arith.constant 0 : i32
        %dma_start3A_162 = tpu.memref_slice %dma_start3A_160[%multiple_of3A, %dma_start3A_161] : memref<80x128xi32, #tpu.memory_space<hbm>> -> memref<8x128xi32, #tpu.memory_space<hbm>>
        %dma_start3A_163 = arith.constant 0 : i32
        %dma_start3A_164 = arith.constant 0 : i32
        %dma_start3A_165 = tpu.memref_slice %arg3[%arg1, %dma_start3A_163, %dma_start3A_164] : memref<16x80x128xi32, #tpu.memory_space<hbm>> -> memref<1x80x128xi32, #tpu.memory_space<hbm>>
        %dma_start3A_166 = tpu.memref_squeeze %dma_start3A_165 : memref<1x80x128xi32, #tpu.memory_space<hbm>> -> memref<80x128xi32, #tpu.memory_space<hbm>>
        %dma_start3A_167 = arith.constant 0 : i32
        %dma_start3A_168 = tpu.memref_slice %dma_start3A_166[%multiple_of3A, %dma_start3A_167] : memref<80x128xi32, #tpu.memory_space<hbm>> -> memref<8x128xi32, #tpu.memory_space<hbm>>
        tpu.enqueue_dma source(%dma_start3A_168 : memref<8x128xi32, #tpu.memory_space<hbm>>) target(%arg6 : memref<8x128xi32, #tpu.memory_space<vmem>>) target_semaphore(%run_scoped3A_156 : memref<!tpu.dma_semaphore, #tpu.memory_space<semaphore_mem>>)
        %dma_wait3A_169 = arith.constant 0 : i32
        %dma_wait3A_170 = arith.constant 0 : i32
        %dma_wait3A_171 = tpu.memref_slice %arg3[%arg1, %dma_wait3A_169, %dma_wait3A_170] : memref<16x80x128xi32, #tpu.memory_space<hbm>> -> memref<1x80x128xi32, #tpu.memory_space<hbm>>
        %dma_wait3A_172 = tpu.memref_squeeze %dma_wait3A_171 : memref<1x80x128xi32, #tpu.memory_space<hbm>> -> memref<80x128xi32, #tpu.memory_space<hbm>>
        %dma_wait3A_173 = arith.constant 0 : i32
        %dma_wait3A_174 = tpu.memref_slice %dma_wait3A_172[%multiple_of3A, %dma_wait3A_173] : memref<80x128xi32, #tpu.memory_space<hbm>> -> memref<8x128xi32, #tpu.memory_space<hbm>>
        %dma_wait3A_175 = arith.constant 0 : i32
        %dma_wait3A_176 = arith.constant 0 : i32
        %dma_wait3A_177 = tpu.memref_slice %arg3[%arg1, %dma_wait3A_175, %dma_wait3A_176] : memref<16x80x128xi32, #tpu.memory_space<hbm>> -> memref<1x80x128xi32, #tpu.memory_space<hbm>>
        %dma_wait3A_178 = tpu.memref_squeeze %dma_wait3A_177 : memref<1x80x128xi32, #tpu.memory_space<hbm>> -> memref<80x128xi32, #tpu.memory_space<hbm>>
        %dma_wait3A_179 = arith.constant 0 : i32
        %dma_wait3A_180 = tpu.memref_slice %dma_wait3A_178[%multiple_of3A, %dma_wait3A_179] : memref<80x128xi32, #tpu.memory_space<hbm>> -> memref<8x128xi32, #tpu.memory_space<hbm>>
        tpu.wait_dma2 semaphore(%run_scoped3A_156 : memref<!tpu.dma_semaphore, #tpu.memory_space<semaphore_mem>>) src(%dma_wait3A_180 : memref<8x128xi32, #tpu.memory_space<hbm>>) dst(%arg6 : memref<8x128xi32, #tpu.memory_space<vmem>>)
        tpu.yield
      }) : () -> ()
      "tpu.region"() ({
        %run_scoped3A_156 = tpu.sem_alloc : memref<!tpu.dma_semaphore, #tpu.memory_space<semaphore_mem>>
        %dma_start3A_157 = arith.constant 0 : i32
        %dma_start3A_158 = arith.constant 0 : i32
        %dma_start3A_159 = tpu.memref_slice %arg4[%arg1, %dma_start3A_157, %dma_start3A_158] : memref<16x80x128xi32, #tpu.memory_space<hbm>> -> memref<1x80x128xi32, #tpu.memory_space<hbm>>
        %dma_start3A_160 = tpu.memref_squeeze %dma_start3A_159 : memref<1x80x128xi32, #tpu.memory_space<hbm>> -> memref<80x128xi32, #tpu.memory_space<hbm>>
        %dma_start3A_161 = arith.constant 0 : i32
        %dma_start3A_162 = tpu.memref_slice %dma_start3A_160[%multiple_of3A, %dma_start3A_161] : memref<80x128xi32, #tpu.memory_space<hbm>> -> memref<8x128xi32, #tpu.memory_space<hbm>>
        %dma_start3A_163 = arith.constant 0 : i32
        %dma_start3A_164 = arith.constant 0 : i32
        %dma_start3A_165 = tpu.memref_slice %arg4[%arg1, %dma_start3A_163, %dma_start3A_164] : memref<16x80x128xi32, #tpu.memory_space<hbm>> -> memref<1x80x128xi32, #tpu.memory_space<hbm>>
        %dma_start3A_166 = tpu.memref_squeeze %dma_start3A_165 : memref<1x80x128xi32, #tpu.memory_space<hbm>> -> memref<80x128xi32, #tpu.memory_space<hbm>>
        %dma_start3A_167 = arith.constant 0 : i32
        %dma_start3A_168 = tpu.memref_slice %dma_start3A_166[%multiple_of3A, %dma_start3A_167] : memref<80x128xi32, #tpu.memory_space<hbm>> -> memref<8x128xi32, #tpu.memory_space<hbm>>
        tpu.enqueue_dma source(%dma_start3A_168 : memref<8x128xi32, #tpu.memory_space<hbm>>) target(%arg7 : memref<8x128xi32, #tpu.memory_space<vmem>>) target_semaphore(%run_scoped3A_156 : memref<!tpu.dma_semaphore, #tpu.memory_space<semaphore_mem>>)
        %dma_wait3A_169 = arith.constant 0 : i32
        %dma_wait3A_170 = arith.constant 0 : i32
        %dma_wait3A_171 = tpu.memref_slice %arg4[%arg1, %dma_wait3A_169, %dma_wait3A_170] : memref<16x80x128xi32, #tpu.memory_space<hbm>> -> memref<1x80x128xi32, #tpu.memory_space<hbm>>
        %dma_wait3A_172 = tpu.memref_squeeze %dma_wait3A_171 : memref<1x80x128xi32, #tpu.memory_space<hbm>> -> memref<80x128xi32, #tpu.memory_space<hbm>>
        %dma_wait3A_173 = arith.constant 0 : i32
        %dma_wait3A_174 = tpu.memref_slice %dma_wait3A_172[%multiple_of3A, %dma_wait3A_173] : memref<80x128xi32, #tpu.memory_space<hbm>> -> memref<8x128xi32, #tpu.memory_space<hbm>>
        %dma_wait3A_175 = arith.constant 0 : i32
        %dma_wait3A_176 = arith.constant 0 : i32
        %dma_wait3A_177 = tpu.memref_slice %arg4[%arg1, %dma_wait3A_175, %dma_wait3A_176] : memref<16x80x128xi32, #tpu.memory_space<hbm>> -> memref<1x80x128xi32, #tpu.memory_space<hbm>>
        %dma_wait3A_178 = tpu.memref_squeeze %dma_wait3A_177 : memref<1x80x128xi32, #tpu.memory_space<hbm>> -> memref<80x128xi32, #tpu.memory_space<hbm>>
        %dma_wait3A_179 = arith.constant 0 : i32
        %dma_wait3A_180 = tpu.memref_slice %dma_wait3A_178[%multiple_of3A, %dma_wait3A_179] : memref<80x128xi32, #tpu.memory_space<hbm>> -> memref<8x128xi32, #tpu.memory_space<hbm>>
        tpu.wait_dma2 semaphore(%run_scoped3A_156 : memref<!tpu.dma_semaphore, #tpu.memory_space<semaphore_mem>>) src(%dma_wait3A_180 : memref<8x128xi32, #tpu.memory_space<hbm>>) dst(%arg7 : memref<8x128xi32, #tpu.memory_space<vmem>>)
        tpu.yield
      }) : () -> ()
      %scan3A_31 = arith.constant 0 : i32
      %scan3A_32 = arith.constant 0 : i32
      %scan3A_33 = arith.constant 8 : i32
      %scan3A_34 = arith.addi %scan3A_32, %scan3A_33 : i32
      %scan3A_35 = arith.constant 1 : i32
      %scan3A_36 = scf.for %scan3A_156 = %scan3A_32 to %scan3A_34 step %scan3A_35 iter_args(%scan3A_157 = %scan3A_31) -> (i32)  : i32 {
        %get3A = arith.index_cast %scan3A_156 : i32 to index
        %get3A_158 = arith.constant 0 : index
        %get3A_159 = tpu.vector_load %arg6[%get3A, %get3A_158] {strides = array<i32>} : memref<8x128xi32, #tpu.memory_space<vmem>>, vector<1x16xi32>,
        %get3A_160 = vector.shape_cast %get3A_159 : vector<1x16xi32> to vector<16xi32>
        %add3A_161 = vector.broadcast %mul3A_0 : i32 to vector<16xi32>
        %add3A_162 = arith.addi %get3A_160, %add3A_161 : vector<16xi32>
        %swap3A = arith.index_cast %scan3A_156 : i32 to index
        %swap3A_163 = arith.constant 0 : index
        %swap3A_164 = tpu.vector_load %arg6[%swap3A, %swap3A_163] {strides = array<i32>} : memref<8x128xi32, #tpu.memory_space<vmem>>, vector<1x16xi32>,
        %swap3A_165 = vector.shape_cast %swap3A_164 : vector<1x16xi32> to vector<16xi32>
        %swap3A_166 = vector.shape_cast %add3A_162 : vector<16xi32> to vector<1x16xi32>
        tpu.vector_store %arg6[%swap3A, %swap3A_163], %swap3A_166 {strides = array<i32>} : memref<8x128xi32, #tpu.memory_space<vmem>>, vector<1x16xi32>,
        %get3A_167 = arith.index_cast %scan3A_156 : i32 to index
        %get3A_168 = arith.constant 16 : index
        %get3A_169 = tpu.vector_load %arg6[%get3A_167, %get3A_168] {strides = array<i32>} : memref<8x128xi32, #tpu.memory_space<vmem>>, vector<1x16xi32>,
        %get3A_170 = vector.shape_cast %get3A_169 : vector<1x16xi32> to vector<16xi32>
        %add3A_171 = vector.broadcast %mul3A_0 : i32 to vector<16xi32>
        %add3A_172 = arith.addi %get3A_170, %add3A_171 : vector<16xi32>
        %swap3A_173 = arith.index_cast %scan3A_156 : i32 to index
        %swap3A_174 = arith.constant 16 : index
        %swap3A_175 = tpu.vector_load %arg6[%swap3A_173, %swap3A_174] {strides = array<i32>} : memref<8x128xi32, #tpu.memory_space<vmem>>, vector<1x16xi32>,
        %swap3A_176 = vector.shape_cast %swap3A_175 : vector<1x16xi32> to vector<16xi32>
        %swap3A_177 = vector.shape_cast %add3A_172 : vector<16xi32> to vector<1x16xi32>
        tpu.vector_store %arg6[%swap3A_173, %swap3A_174], %swap3A_177 {strides = array<i32>} : memref<8x128xi32, #tpu.memory_space<vmem>>, vector<1x16xi32>,
        %get3A_178 = arith.index_cast %scan3A_156 : i32 to index
        %get3A_179 = arith.constant 32 : index
        %get3A_180 = tpu.vector_load %arg6[%get3A_178, %get3A_179] {strides = array<i32>} : memref<8x128xi32, #tpu.memory_space<vmem>>, vector<1x16xi32>,
        %get3A_181 = vector.shape_cast %get3A_180 : vector<1x16xi32> to vector<16xi32>
        %add3A_182 = vector.broadcast %mul3A_0 : i32 to vector<16xi32>
        %add3A_183 = arith.addi %get3A_181, %add3A_182 : vector<16xi32>
        %swap3A_184 = arith.index_cast %scan3A_156 : i32 to index
        %swap3A_185 = arith.constant 32 : index
        %swap3A_186 = tpu.vector_load %arg6[%swap3A_184, %swap3A_185] {strides = array<i32>} : memref<8x128xi32, #tpu.memory_space<vmem>>, vector<1x16xi32>,
        %swap3A_187 = vector.shape_cast %swap3A_186 : vector<1x16xi32> to vector<16xi32>
        %swap3A_188 = vector.shape_cast %add3A_183 : vector<16xi32> to vector<1x16xi32>
        tpu.vector_store %arg6[%swap3A_184, %swap3A_185], %swap3A_188 {strides = array<i32>} : memref<8x128xi32, #tpu.memory_space<vmem>>, vector<1x16xi32>,
        %get3A_189 = arith.index_cast %scan3A_156 : i32 to index
        %get3A_190 = arith.constant 48 : index
        %get3A_191 = tpu.vector_load %arg6[%get3A_189, %get3A_190] {strides = array<i32>} : memref<8x128xi32, #tpu.memory_space<vmem>>, vector<1x16xi32>,
        %get3A_192 = vector.shape_cast %get3A_191 : vector<1x16xi32> to vector<16xi32>
        %add3A_193 = vector.broadcast %mul3A_0 : i32 to vector<16xi32>
        %add3A_194 = arith.addi %get3A_192, %add3A_193 : vector<16xi32>
        %swap3A_195 = arith.index_cast %scan3A_156 : i32 to index
        %swap3A_196 = arith.constant 48 : index
        %swap3A_197 = tpu.vector_load %arg6[%swap3A_195, %swap3A_196] {strides = array<i32>} : memref<8x128xi32, #tpu.memory_space<vmem>>, vector<1x16xi32>,
        %swap3A_198 = vector.shape_cast %swap3A_197 : vector<1x16xi32> to vector<16xi32>
        %swap3A_199 = vector.shape_cast %add3A_194 : vector<16xi32> to vector<1x16xi32>
        tpu.vector_store %arg6[%swap3A_195, %swap3A_196], %swap3A_199 {strides = array<i32>} : memref<8x128xi32, #tpu.memory_space<vmem>>, vector<1x16xi32>,
        %get3A_200 = arith.index_cast %scan3A_156 : i32 to index
        %get3A_201 = arith.constant 64 : index
        %get3A_202 = tpu.vector_load %arg6[%get3A_200, %get3A_201] {strides = array<i32>} : memref<8x128xi32, #tpu.memory_space<vmem>>, vector<1x16xi32>,
        %get3A_203 = vector.shape_cast %get3A_202 : vector<1x16xi32> to vector<16xi32>
        %add3A_204 = vector.broadcast %mul3A_0 : i32 to vector<16xi32>
        %add3A_205 = arith.addi %get3A_203, %add3A_204 : vector<16xi32>
        %swap3A_206 = arith.index_cast %scan3A_156 : i32 to index
        %swap3A_207 = arith.constant 64 : index
        %swap3A_208 = tpu.vector_load %arg6[%swap3A_206, %swap3A_207] {strides = array<i32>} : memref<8x128xi32, #tpu.memory_space<vmem>>, vector<1x16xi32>,
        %swap3A_209 = vector.shape_cast %swap3A_208 : vector<1x16xi32> to vector<16xi32>
        %swap3A_210 = vector.shape_cast %add3A_205 : vector<16xi32> to vector<1x16xi32>
        tpu.vector_store %arg6[%swap3A_206, %swap3A_207], %swap3A_210 {strides = array<i32>} : memref<8x128xi32, #tpu.memory_space<vmem>>, vector<1x16xi32>,
        %get3A_211 = arith.index_cast %scan3A_156 : i32 to index
        %get3A_212 = arith.constant 80 : index
        %get3A_213 = tpu.vector_load %arg6[%get3A_211, %get3A_212] {strides = array<i32>} : memref<8x128xi32, #tpu.memory_space<vmem>>, vector<1x16xi32>,
        %get3A_214 = vector.shape_cast %get3A_213 : vector<1x16xi32> to vector<16xi32>
        %add3A_215 = vector.broadcast %mul3A_0 : i32 to vector<16xi32>
        %add3A_216 = arith.addi %get3A_214, %add3A_215 : vector<16xi32>
        %swap3A_217 = arith.index_cast %scan3A_156 : i32 to index
        %swap3A_218 = arith.constant 80 : index
        %swap3A_219 = tpu.vector_load %arg6[%swap3A_217, %swap3A_218] {strides = array<i32>} : memref<8x128xi32, #tpu.memory_space<vmem>>, vector<1x16xi32>,
        %swap3A_220 = vector.shape_cast %swap3A_219 : vector<1x16xi32> to vector<16xi32>
        %swap3A_221 = vector.shape_cast %add3A_216 : vector<16xi32> to vector<1x16xi32>
        tpu.vector_store %arg6[%swap3A_217, %swap3A_218], %swap3A_221 {strides = array<i32>} : memref<8x128xi32, #tpu.memory_space<vmem>>, vector<1x16xi32>,
        %get3A_222 = arith.index_cast %scan3A_156 : i32 to index
        %get3A_223 = arith.constant 96 : index
        %get3A_224 = tpu.vector_load %arg6[%get3A_222, %get3A_223] {strides = array<i32>} : memref<8x128xi32, #tpu.memory_space<vmem>>, vector<1x16xi32>,
        %get3A_225 = vector.shape_cast %get3A_224 : vector<1x16xi32> to vector<16xi32>
        %add3A_226 = vector.broadcast %mul3A_0 : i32 to vector<16xi32>
        %add3A_227 = arith.addi %get3A_225, %add3A_226 : vector<16xi32>
        %swap3A_228 = arith.index_cast %scan3A_156 : i32 to index
        %swap3A_229 = arith.constant 96 : index
        %swap3A_230 = tpu.vector_load %arg6[%swap3A_228, %swap3A_229] {strides = array<i32>} : memref<8x128xi32, #tpu.memory_space<vmem>>, vector<1x16xi32>,
        %swap3A_231 = vector.shape_cast %swap3A_230 : vector<1x16xi32> to vector<16xi32>
        %swap3A_232 = vector.shape_cast %add3A_227 : vector<16xi32> to vector<1x16xi32>
        tpu.vector_store %arg6[%swap3A_228, %swap3A_229], %swap3A_232 {strides = array<i32>} : memref<8x128xi32, #tpu.memory_space<vmem>>, vector<1x16xi32>,
        %get3A_233 = arith.index_cast %scan3A_156 : i32 to index
        %get3A_234 = arith.constant 112 : index
        %get3A_235 = tpu.vector_load %arg6[%get3A_233, %get3A_234] {strides = array<i32>} : memref<8x128xi32, #tpu.memory_space<vmem>>, vector<1x16xi32>,
        %get3A_236 = vector.shape_cast %get3A_235 : vector<1x16xi32> to vector<16xi32>
        %add3A_237 = vector.broadcast %mul3A_0 : i32 to vector<16xi32>
        %add3A_238 = arith.addi %get3A_236, %add3A_237 : vector<16xi32>
        %swap3A_239 = arith.index_cast %scan3A_156 : i32 to index
        %swap3A_240 = arith.constant 112 : index
        %swap3A_241 = tpu.vector_load %arg6[%swap3A_239, %swap3A_240] {strides = array<i32>} : memref<8x128xi32, #tpu.memory_space<vmem>>, vector<1x16xi32>,
        %swap3A_242 = vector.shape_cast %swap3A_241 : vector<1x16xi32> to vector<16xi32>
        %swap3A_243 = vector.shape_cast %add3A_238 : vector<16xi32> to vector<1x16xi32>
        tpu.vector_store %arg6[%swap3A_239, %swap3A_240], %swap3A_243 {strides = array<i32>} : memref<8x128xi32, #tpu.memory_space<vmem>>, vector<1x16xi32>,
        %scan3A_244 = arith.constant 0 : i32
        scf.yield %scan3A_244 : i32
      }
      %scan3A_37 = arith.constant 8 : i32
      %dma_start3A = arith.constant 0 : i32
      %dma_start3A_38 = arith.constant 0 : i32
      %dma_start3A_39 = tpu.memref_slice %arg6[%dma_start3A, %dma_start3A_38] : memref<8x128xi32, #tpu.memory_space<vmem>> -> memref<1x128xi32, #tpu.memory_space<vmem>>
      %dma_start3A_40 = tpu.memref_squeeze %dma_start3A_39 : memref<1x128xi32, #tpu.memory_space<vmem>> -> memref<128xi32, #tpu.memory_space<vmem>>
      %dma_start3A_41 = arith.constant 0 : i32
      %dma_start3A_42 = arith.constant 0 : i32
      %dma_start3A_43 = tpu.memref_slice %arg2[%dma_start3A_41, %dma_start3A_42] : memref<20000x144xf32, #tpu.memory_space<hbm>> -> memref<20000x144xf32, #tpu.memory_space<hbm>>
      tpu.enqueue_indirect_dma source(%dma_start3A_43 : memref<20000x144xf32, #tpu.memory_space<hbm>>) target(%arg8 : memref<128x144xf32, #tpu.memory_space<vmem>>) offsets(%dma_start3A_40 : memref<128xi32, #tpu.memory_space<vmem>>) semaphore(%arg11 : memref<!tpu.dma_semaphore, #tpu.memory_space<semaphore_mem>>)
      %dma_start3A_44 = arith.constant 1 : i32
      %dma_start3A_45 = arith.constant 0 : i32
      %dma_start3A_46 = tpu.memref_slice %arg6[%dma_start3A_44, %dma_start3A_45] : memref<8x128xi32, #tpu.memory_space<vmem>> -> memref<1x128xi32, #tpu.memory_space<vmem>>
      %dma_start3A_47 = tpu.memref_squeeze %dma_start3A_46 : memref<1x128xi32, #tpu.memory_space<vmem>> -> memref<128xi32, #tpu.memory_space<vmem>>
      %dma_start3A_48 = arith.constant 0 : i32
      %dma_start3A_49 = arith.constant 0 : i32
      %dma_start3A_50 = tpu.memref_slice %arg2[%dma_start3A_48, %dma_start3A_49] : memref<20000x144xf32, #tpu.memory_space<hbm>> -> memref<20000x144xf32, #tpu.memory_space<hbm>>
      tpu.enqueue_indirect_dma source(%dma_start3A_50 : memref<20000x144xf32, #tpu.memory_space<hbm>>) target(%arg9 : memref<128x144xf32, #tpu.memory_space<vmem>>) offsets(%dma_start3A_47 : memref<128xi32, #tpu.memory_space<vmem>>) semaphore(%arg12 : memref<!tpu.dma_semaphore, #tpu.memory_space<semaphore_mem>>)
      %dma_wait3A = arith.constant 0 : i32
      %dma_wait3A_51 = arith.constant 0 : i32
      %dma_wait3A_52 = tpu.memref_slice %arg6[%dma_wait3A, %dma_wait3A_51] : memref<8x128xi32, #tpu.memory_space<vmem>> -> memref<1x128xi32, #tpu.memory_space<vmem>>
      %dma_wait3A_53 = tpu.memref_squeeze %dma_wait3A_52 : memref<1x128xi32, #tpu.memory_space<vmem>> -> memref<128xi32, #tpu.memory_space<vmem>>
      %dma_wait3A_54 = arith.constant 0 : i32
      %dma_wait3A_55 = arith.constant 0 : i32
      %dma_wait3A_56 = tpu.memref_slice %arg2[%dma_wait3A_54, %dma_wait3A_55] : memref<20000x144xf32, #tpu.memory_space<hbm>> -> memref<20000x144xf32, #tpu.memory_space<hbm>>
      tpu.wait_indirect_dma semaphore(%arg11 : memref<!tpu.dma_semaphore, #tpu.memory_space<semaphore_mem>>) src(%dma_wait3A_56 : memref<20000x144xf32, #tpu.memory_space<hbm>>) dst(%arg8 : memref<128x144xf32, #tpu.memory_space<vmem>>)
      %run_scoped3A = arith.constant 0 : i32
      "tpu.region"() ({
        %run_scoped3A_156 = tpu.sem_alloc : memref<!tpu.dma_semaphore, #tpu.memory_space<semaphore_mem>>
        %dma_start3A_157 = arith.constant 0 : i32
        %dma_start3A_158 = tpu.memref_slice %arg7[%run_scoped3A, %dma_start3A_157] : memref<8x128xi32, #tpu.memory_space<vmem>> -> memref<1x128xi32, #tpu.memory_space<vmem>>
        %dma_start3A_159 = tpu.memref_squeeze %dma_start3A_158 : memref<1x128xi32, #tpu.memory_space<vmem>> -> memref<128xi32, #tpu.memory_space<vmem>>
        %dma_start3A_160 = arith.constant 0 : i32
        %dma_start3A_161 = arith.constant 0 : i32
        %dma_start3A_162 = tpu.memref_slice %arg10[%dma_start3A_160, %dma_start3A_161] : memref<10112x144xf32, #tpu.memory_space<vmem_shared>> -> memref<10112x144xf32, #tpu.memory_space<vmem_shared>>
        tpu.enqueue_indirect_dma source(%arg8 : memref<128x144xf32, #tpu.memory_space<vmem>>) target(%dma_start3A_162 : memref<10112x144xf32, #tpu.memory_space<vmem_shared>>) offsets(%dma_start3A_159 : memref<128xi32, #tpu.memory_space<vmem>>) semaphore(%run_scoped3A_156 : memref<!tpu.dma_semaphore, #tpu.memory_space<semaphore_mem>>) {add = true}
        %dma_wait3A_163 = arith.constant 0 : i32
        %dma_wait3A_164 = tpu.memref_slice %arg7[%run_scoped3A, %dma_wait3A_163] : memref<8x128xi32, #tpu.memory_space<vmem>> -> memref<1x128xi32, #tpu.memory_space<vmem>>
        %dma_wait3A_165 = tpu.memref_squeeze %dma_wait3A_164 : memref<1x128xi32, #tpu.memory_space<vmem>> -> memref<128xi32, #tpu.memory_space<vmem>>
        %dma_wait3A_166 = arith.constant 0 : i32
        %dma_wait3A_167 = arith.constant 0 : i32
        %dma_wait3A_168 = tpu.memref_slice %arg10[%dma_wait3A_166, %dma_wait3A_167] : memref<10112x144xf32, #tpu.memory_space<vmem_shared>> -> memref<10112x144xf32, #tpu.memory_space<vmem_shared>>
        tpu.wait_indirect_dma semaphore(%run_scoped3A_156 : memref<!tpu.dma_semaphore, #tpu.memory_space<semaphore_mem>>) src(%arg8 : memref<128x144xf32, #tpu.memory_space<vmem>>) dst(%dma_wait3A_168 : memref<10112x144xf32, #tpu.memory_space<vmem_shared>>)
        tpu.yield
      }) : () -> ()
      %dma_start3A_57 = arith.constant 2 : i32
      %dma_start3A_58 = arith.constant 0 : i32
      %dma_start3A_59 = tpu.memref_slice %arg6[%dma_start3A_57, %dma_start3A_58] : memref<8x128xi32, #tpu.memory_space<vmem>> -> memref<1x128xi32, #tpu.memory_space<vmem>>
      %dma_start3A_60 = tpu.memref_squeeze %dma_start3A_59 : memref<1x128xi32, #tpu.memory_space<vmem>> -> memref<128xi32, #tpu.memory_space<vmem>>
      %dma_start3A_61 = arith.constant 0 : i32
      %dma_start3A_62 = arith.constant 0 : i32
      %dma_start3A_63 = tpu.memref_slice %arg2[%dma_start3A_61, %dma_start3A_62] : memref<20000x144xf32, #tpu.memory_space<hbm>> -> memref<20000x144xf32, #tpu.memory_space<hbm>>
      tpu.enqueue_indirect_dma source(%dma_start3A_63 : memref<20000x144xf32, #tpu.memory_space<hbm>>) target(%arg8 : memref<128x144xf32, #tpu.memory_space<vmem>>) offsets(%dma_start3A_60 : memref<128xi32, #tpu.memory_space<vmem>>) semaphore(%arg11 : memref<!tpu.dma_semaphore, #tpu.memory_space<semaphore_mem>>)
      %dma_wait3A_64 = arith.constant 1 : i32
      %dma_wait3A_65 = arith.constant 0 : i32
      %dma_wait3A_66 = tpu.memref_slice %arg6[%dma_wait3A_64, %dma_wait3A_65] : memref<8x128xi32, #tpu.memory_space<vmem>> -> memref<1x128xi32, #tpu.memory_space<vmem>>
      %dma_wait3A_67 = tpu.memref_squeeze %dma_wait3A_66 : memref<1x128xi32, #tpu.memory_space<vmem>> -> memref<128xi32, #tpu.memory_space<vmem>>
      %dma_wait3A_68 = arith.constant 0 : i32
      %dma_wait3A_69 = arith.constant 0 : i32
      %dma_wait3A_70 = tpu.memref_slice %arg2[%dma_wait3A_68, %dma_wait3A_69] : memref<20000x144xf32, #tpu.memory_space<hbm>> -> memref<20000x144xf32, #tpu.memory_space<hbm>>
      tpu.wait_indirect_dma semaphore(%arg12 : memref<!tpu.dma_semaphore, #tpu.memory_space<semaphore_mem>>) src(%dma_wait3A_70 : memref<20000x144xf32, #tpu.memory_space<hbm>>) dst(%arg9 : memref<128x144xf32, #tpu.memory_space<vmem>>)
      %run_scoped3A_71 = arith.constant 1 : i32
      "tpu.region"() ({
        %run_scoped3A_156 = tpu.sem_alloc : memref<!tpu.dma_semaphore, #tpu.memory_space<semaphore_mem>>
        %dma_start3A_157 = arith.constant 0 : i32
        %dma_start3A_158 = tpu.memref_slice %arg7[%run_scoped3A_71, %dma_start3A_157] : memref<8x128xi32, #tpu.memory_space<vmem>> -> memref<1x128xi32, #tpu.memory_space<vmem>>
        %dma_start3A_159 = tpu.memref_squeeze %dma_start3A_158 : memref<1x128xi32, #tpu.memory_space<vmem>> -> memref<128xi32, #tpu.memory_space<vmem>>
        %dma_start3A_160 = arith.constant 0 : i32
        %dma_start3A_161 = arith.constant 0 : i32
        %dma_start3A_162 = tpu.memref_slice %arg10[%dma_start3A_160, %dma_start3A_161] : memref<10112x144xf32, #tpu.memory_space<vmem_shared>> -> memref<10112x144xf32, #tpu.memory_space<vmem_shared>>
        tpu.enqueue_indirect_dma source(%arg9 : memref<128x144xf32, #tpu.memory_space<vmem>>) target(%dma_start3A_162 : memref<10112x144xf32, #tpu.memory_space<vmem_shared>>) offsets(%dma_start3A_159 : memref<128xi32, #tpu.memory_space<vmem>>) semaphore(%run_scoped3A_156 : memref<!tpu.dma_semaphore, #tpu.memory_space<semaphore_mem>>) {add = true}
        %dma_wait3A_163 = arith.constant 0 : i32
        %dma_wait3A_164 = tpu.memref_slice %arg7[%run_scoped3A_71, %dma_wait3A_163] : memref<8x128xi32, #tpu.memory_space<vmem>> -> memref<1x128xi32, #tpu.memory_space<vmem>>
        %dma_wait3A_165 = tpu.memref_squeeze %dma_wait3A_164 : memref<1x128xi32, #tpu.memory_space<vmem>> -> memref<128xi32, #tpu.memory_space<vmem>>
        %dma_wait3A_166 = arith.constant 0 : i32
        %dma_wait3A_167 = arith.constant 0 : i32
        %dma_wait3A_168 = tpu.memref_slice %arg10[%dma_wait3A_166, %dma_wait3A_167] : memref<10112x144xf32, #tpu.memory_space<vmem_shared>> -> memref<10112x144xf32, #tpu.memory_space<vmem_shared>>
        tpu.wait_indirect_dma semaphore(%run_scoped3A_156 : memref<!tpu.dma_semaphore, #tpu.memory_space<semaphore_mem>>) src(%arg9 : memref<128x144xf32, #tpu.memory_space<vmem>>) dst(%dma_wait3A_168 : memref<10112x144xf32, #tpu.memory_space<vmem_shared>>)
        tpu.yield
      }) : () -> ()
      %dma_start3A_72 = arith.constant 3 : i32
      %dma_start3A_73 = arith.constant 0 : i32
      %dma_start3A_74 = tpu.memref_slice %arg6[%dma_start3A_72, %dma_start3A_73] : memref<8x128xi32, #tpu.memory_space<vmem>> -> memref<1x128xi32, #tpu.memory_space<vmem>>
      %dma_start3A_75 = tpu.memref_squeeze %dma_start3A_74 : memref<1x128xi32, #tpu.memory_space<vmem>> -> memref<128xi32, #tpu.memory_space<vmem>>
      %dma_start3A_76 = arith.constant 0 : i32
      %dma_start3A_77 = arith.constant 0 : i32
      %dma_start3A_78 = tpu.memref_slice %arg2[%dma_start3A_76, %dma_start3A_77] : memref<20000x144xf32, #tpu.memory_space<hbm>> -> memref<20000x144xf32, #tpu.memory_space<hbm>>
      tpu.enqueue_indirect_dma source(%dma_start3A_78 : memref<20000x144xf32, #tpu.memory_space<hbm>>) target(%arg9 : memref<128x144xf32, #tpu.memory_space<vmem>>) offsets(%dma_start3A_75 : memref<128xi32, #tpu.memory_space<vmem>>) semaphore(%arg12 : memref<!tpu.dma_semaphore, #tpu.memory_space<semaphore_mem>>)
      %dma_wait3A_79 = arith.constant 2 : i32
      %dma_wait3A_80 = arith.constant 0 : i32
      %dma_wait3A_81 = tpu.memref_slice %arg6[%dma_wait3A_79, %dma_wait3A_80] : memref<8x128xi32, #tpu.memory_space<vmem>> -> memref<1x128xi32, #tpu.memory_space<vmem>>
      %dma_wait3A_82 = tpu.memref_squeeze %dma_wait3A_81 : memref<1x128xi32, #tpu.memory_space<vmem>> -> memref<128xi32, #tpu.memory_space<vmem>>
      %dma_wait3A_83 = arith.constant 0 : i32
      %dma_wait3A_84 = arith.constant 0 : i32
      %dma_wait3A_85 = tpu.memref_slice %arg2[%dma_wait3A_83, %dma_wait3A_84] : memref<20000x144xf32, #tpu.memory_space<hbm>> -> memref<20000x144xf32, #tpu.memory_space<hbm>>
      tpu.wait_indirect_dma semaphore(%arg11 : memref<!tpu.dma_semaphore, #tpu.memory_space<semaphore_mem>>) src(%dma_wait3A_85 : memref<20000x144xf32, #tpu.memory_space<hbm>>) dst(%arg8 : memref<128x144xf32, #tpu.memory_space<vmem>>)
      %run_scoped3A_86 = arith.constant 2 : i32
      "tpu.region"() ({
        %run_scoped3A_156 = tpu.sem_alloc : memref<!tpu.dma_semaphore, #tpu.memory_space<semaphore_mem>>
        %dma_start3A_157 = arith.constant 0 : i32
        %dma_start3A_158 = tpu.memref_slice %arg7[%run_scoped3A_86, %dma_start3A_157] : memref<8x128xi32, #tpu.memory_space<vmem>> -> memref<1x128xi32, #tpu.memory_space<vmem>>
        %dma_start3A_159 = tpu.memref_squeeze %dma_start3A_158 : memref<1x128xi32, #tpu.memory_space<vmem>> -> memref<128xi32, #tpu.memory_space<vmem>>
        %dma_start3A_160 = arith.constant 0 : i32
        %dma_start3A_161 = arith.constant 0 : i32
        %dma_start3A_162 = tpu.memref_slice %arg10[%dma_start3A_160, %dma_start3A_161] : memref<10112x144xf32, #tpu.memory_space<vmem_shared>> -> memref<10112x144xf32, #tpu.memory_space<vmem_shared>>
        tpu.enqueue_indirect_dma source(%arg8 : memref<128x144xf32, #tpu.memory_space<vmem>>) target(%dma_start3A_162 : memref<10112x144xf32, #tpu.memory_space<vmem_shared>>) offsets(%dma_start3A_159 : memref<128xi32, #tpu.memory_space<vmem>>) semaphore(%run_scoped3A_156 : memref<!tpu.dma_semaphore, #tpu.memory_space<semaphore_mem>>) {add = true}
        %dma_wait3A_163 = arith.constant 0 : i32
        %dma_wait3A_164 = tpu.memref_slice %arg7[%run_scoped3A_86, %dma_wait3A_163] : memref<8x128xi32, #tpu.memory_space<vmem>> -> memref<1x128xi32, #tpu.memory_space<vmem>>
        %dma_wait3A_165 = tpu.memref_squeeze %dma_wait3A_164 : memref<1x128xi32, #tpu.memory_space<vmem>> -> memref<128xi32, #tpu.memory_space<vmem>>
        %dma_wait3A_166 = arith.constant 0 : i32
        %dma_wait3A_167 = arith.constant 0 : i32
        %dma_wait3A_168 = tpu.memref_slice %arg10[%dma_wait3A_166, %dma_wait3A_167] : memref<10112x144xf32, #tpu.memory_space<vmem_shared>> -> memref<10112x144xf32, #tpu.memory_space<vmem_shared>>
        tpu.wait_indirect_dma semaphore(%run_scoped3A_156 : memref<!tpu.dma_semaphore, #tpu.memory_space<semaphore_mem>>) src(%arg8 : memref<128x144xf32, #tpu.memory_space<vmem>>) dst(%dma_wait3A_168 : memref<10112x144xf32, #tpu.memory_space<vmem_shared>>)
        tpu.yield
      }) : () -> ()
      %dma_start3A_87 = arith.constant 4 : i32
      %dma_start3A_88 = arith.constant 0 : i32
      %dma_start3A_89 = tpu.memref_slice %arg6[%dma_start3A_87, %dma_start3A_88] : memref<8x128xi32, #tpu.memory_space<vmem>> -> memref<1x128xi32, #tpu.memory_space<vmem>>
      %dma_start3A_90 = tpu.memref_squeeze %dma_start3A_89 : memref<1x128xi32, #tpu.memory_space<vmem>> -> memref<128xi32, #tpu.memory_space<vmem>>
      %dma_start3A_91 = arith.constant 0 : i32
      %dma_start3A_92 = arith.constant 0 : i32
      %dma_start3A_93 = tpu.memref_slice %arg2[%dma_start3A_91, %dma_start3A_92] : memref<20000x144xf32, #tpu.memory_space<hbm>> -> memref<20000x144xf32, #tpu.memory_space<hbm>>
      tpu.enqueue_indirect_dma source(%dma_start3A_93 : memref<20000x144xf32, #tpu.memory_space<hbm>>) target(%arg8 : memref<128x144xf32, #tpu.memory_space<vmem>>) offsets(%dma_start3A_90 : memref<128xi32, #tpu.memory_space<vmem>>) semaphore(%arg11 : memref<!tpu.dma_semaphore, #tpu.memory_space<semaphore_mem>>)
      %dma_wait3A_94 = arith.constant 3 : i32
      %dma_wait3A_95 = arith.constant 0 : i32
      %dma_wait3A_96 = tpu.memref_slice %arg6[%dma_wait3A_94, %dma_wait3A_95] : memref<8x128xi32, #tpu.memory_space<vmem>> -> memref<1x128xi32, #tpu.memory_space<vmem>>
      %dma_wait3A_97 = tpu.memref_squeeze %dma_wait3A_96 : memref<1x128xi32, #tpu.memory_space<vmem>> -> memref<128xi32, #tpu.memory_space<vmem>>
      %dma_wait3A_98 = arith.constant 0 : i32
      %dma_wait3A_99 = arith.constant 0 : i32
      %dma_wait3A_100 = tpu.memref_slice %arg2[%dma_wait3A_98, %dma_wait3A_99] : memref<20000x144xf32, #tpu.memory_space<hbm>> -> memref<20000x144xf32, #tpu.memory_space<hbm>>
      tpu.wait_indirect_dma semaphore(%arg12 : memref<!tpu.dma_semaphore, #tpu.memory_space<semaphore_mem>>) src(%dma_wait3A_100 : memref<20000x144xf32, #tpu.memory_space<hbm>>) dst(%arg9 : memref<128x144xf32, #tpu.memory_space<vmem>>)
      %run_scoped3A_101 = arith.constant 3 : i32
      "tpu.region"() ({
        %run_scoped3A_156 = tpu.sem_alloc : memref<!tpu.dma_semaphore, #tpu.memory_space<semaphore_mem>>
        %dma_start3A_157 = arith.constant 0 : i32
        %dma_start3A_158 = tpu.memref_slice %arg7[%run_scoped3A_101, %dma_start3A_157] : memref<8x128xi32, #tpu.memory_space<vmem>> -> memref<1x128xi32, #tpu.memory_space<vmem>>
        %dma_start3A_159 = tpu.memref_squeeze %dma_start3A_158 : memref<1x128xi32, #tpu.memory_space<vmem>> -> memref<128xi32, #tpu.memory_space<vmem>>
        %dma_start3A_160 = arith.constant 0 : i32
        %dma_start3A_161 = arith.constant 0 : i32
        %dma_start3A_162 = tpu.memref_slice %arg10[%dma_start3A_160, %dma_start3A_161] : memref<10112x144xf32, #tpu.memory_space<vmem_shared>> -> memref<10112x144xf32, #tpu.memory_space<vmem_shared>>
        tpu.enqueue_indirect_dma source(%arg9 : memref<128x144xf32, #tpu.memory_space<vmem>>) target(%dma_start3A_162 : memref<10112x144xf32, #tpu.memory_space<vmem_shared>>) offsets(%dma_start3A_159 : memref<128xi32, #tpu.memory_space<vmem>>) semaphore(%run_scoped3A_156 : memref<!tpu.dma_semaphore, #tpu.memory_space<semaphore_mem>>) {add = true}
        %dma_wait3A_163 = arith.constant 0 : i32
        %dma_wait3A_164 = tpu.memref_slice %arg7[%run_scoped3A_101, %dma_wait3A_163] : memref<8x128xi32, #tpu.memory_space<vmem>> -> memref<1x128xi32, #tpu.memory_space<vmem>>
        %dma_wait3A_165 = tpu.memref_squeeze %dma_wait3A_164 : memref<1x128xi32, #tpu.memory_space<vmem>> -> memref<128xi32, #tpu.memory_space<vmem>>
        %dma_wait3A_166 = arith.constant 0 : i32
        %dma_wait3A_167 = arith.constant 0 : i32
        %dma_wait3A_168 = tpu.memref_slice %arg10[%dma_wait3A_166, %dma_wait3A_167] : memref<10112x144xf32, #tpu.memory_space<vmem_shared>> -> memref<10112x144xf32, #tpu.memory_space<vmem_shared>>
        tpu.wait_indirect_dma semaphore(%run_scoped3A_156 : memref<!tpu.dma_semaphore, #tpu.memory_space<semaphore_mem>>) src(%arg9 : memref<128x144xf32, #tpu.memory_space<vmem>>) dst(%dma_wait3A_168 : memref<10112x144xf32, #tpu.memory_space<vmem_shared>>)
        tpu.yield
      }) : () -> ()
      %dma_start3A_102 = arith.constant 5 : i32
      %dma_start3A_103 = arith.constant 0 : i32
      %dma_start3A_104 = tpu.memref_slice %arg6[%dma_start3A_102, %dma_start3A_103] : memref<8x128xi32, #tpu.memory_space<vmem>> -> memref<1x128xi32, #tpu.memory_space<vmem>>
      %dma_start3A_105 = tpu.memref_squeeze %dma_start3A_104 : memref<1x128xi32, #tpu.memory_space<vmem>> -> memref<128xi32, #tpu.memory_space<vmem>>
      %dma_start3A_106 = arith.constant 0 : i32
      %dma_start3A_107 = arith.constant 0 : i32
      %dma_start3A_108 = tpu.memref_slice %arg2[%dma_start3A_106, %dma_start3A_107] : memref<20000x144xf32, #tpu.memory_space<hbm>> -> memref<20000x144xf32, #tpu.memory_space<hbm>>
      tpu.enqueue_indirect_dma source(%dma_start3A_108 : memref<20000x144xf32, #tpu.memory_space<hbm>>) target(%arg9 : memref<128x144xf32, #tpu.memory_space<vmem>>) offsets(%dma_start3A_105 : memref<128xi32, #tpu.memory_space<vmem>>) semaphore(%arg12 : memref<!tpu.dma_semaphore, #tpu.memory_space<semaphore_mem>>)
      %dma_wait3A_109 = arith.constant 4 : i32
      %dma_wait3A_110 = arith.constant 0 : i32
      %dma_wait3A_111 = tpu.memref_slice %arg6[%dma_wait3A_109, %dma_wait3A_110] : memref<8x128xi32, #tpu.memory_space<vmem>> -> memref<1x128xi32, #tpu.memory_space<vmem>>
      %dma_wait3A_112 = tpu.memref_squeeze %dma_wait3A_111 : memref<1x128xi32, #tpu.memory_space<vmem>> -> memref<128xi32, #tpu.memory_space<vmem>>
      %dma_wait3A_113 = arith.constant 0 : i32
      %dma_wait3A_114 = arith.constant 0 : i32
      %dma_wait3A_115 = tpu.memref_slice %arg2[%dma_wait3A_113, %dma_wait3A_114] : memref<20000x144xf32, #tpu.memory_space<hbm>> -> memref<20000x144xf32, #tpu.memory_space<hbm>>
      tpu.wait_indirect_dma semaphore(%arg11 : memref<!tpu.dma_semaphore, #tpu.memory_space<semaphore_mem>>) src(%dma_wait3A_115 : memref<20000x144xf32, #tpu.memory_space<hbm>>) dst(%arg8 : memref<128x144xf32, #tpu.memory_space<vmem>>)
      %run_scoped3A_116 = arith.constant 4 : i32
      "tpu.region"() ({
        %run_scoped3A_156 = tpu.sem_alloc : memref<!tpu.dma_semaphore, #tpu.memory_space<semaphore_mem>>
        %dma_start3A_157 = arith.constant 0 : i32
        %dma_start3A_158 = tpu.memref_slice %arg7[%run_scoped3A_116, %dma_start3A_157] : memref<8x128xi32, #tpu.memory_space<vmem>> -> memref<1x128xi32, #tpu.memory_space<vmem>>
        %dma_start3A_159 = tpu.memref_squeeze %dma_start3A_158 : memref<1x128xi32, #tpu.memory_space<vmem>> -> memref<128xi32, #tpu.memory_space<vmem>>
        %dma_start3A_160 = arith.constant 0 : i32
        %dma_start3A_161 = arith.constant 0 : i32
        %dma_start3A_162 = tpu.memref_slice %arg10[%dma_start3A_160, %dma_start3A_161] : memref<10112x144xf32, #tpu.memory_space<vmem_shared>> -> memref<10112x144xf32, #tpu.memory_space<vmem_shared>>
        tpu.enqueue_indirect_dma source(%arg8 : memref<128x144xf32, #tpu.memory_space<vmem>>) target(%dma_start3A_162 : memref<10112x144xf32, #tpu.memory_space<vmem_shared>>) offsets(%dma_start3A_159 : memref<128xi32, #tpu.memory_space<vmem>>) semaphore(%run_scoped3A_156 : memref<!tpu.dma_semaphore, #tpu.memory_space<semaphore_mem>>) {add = true}
        %dma_wait3A_163 = arith.constant 0 : i32
        %dma_wait3A_164 = tpu.memref_slice %arg7[%run_scoped3A_116, %dma_wait3A_163] : memref<8x128xi32, #tpu.memory_space<vmem>> -> memref<1x128xi32, #tpu.memory_space<vmem>>
        %dma_wait3A_165 = tpu.memref_squeeze %dma_wait3A_164 : memref<1x128xi32, #tpu.memory_space<vmem>> -> memref<128xi32, #tpu.memory_space<vmem>>
        %dma_wait3A_166 = arith.constant 0 : i32
        %dma_wait3A_167 = arith.constant 0 : i32
        %dma_wait3A_168 = tpu.memref_slice %arg10[%dma_wait3A_166, %dma_wait3A_167] : memref<10112x144xf32, #tpu.memory_space<vmem_shared>> -> memref<10112x144xf32, #tpu.memory_space<vmem_shared>>
        tpu.wait_indirect_dma semaphore(%run_scoped3A_156 : memref<!tpu.dma_semaphore, #tpu.memory_space<semaphore_mem>>) src(%arg8 : memref<128x144xf32, #tpu.memory_space<vmem>>) dst(%dma_wait3A_168 : memref<10112x144xf32, #tpu.memory_space<vmem_shared>>)
        tpu.yield
      }) : () -> ()
      %dma_start3A_117 = arith.constant 6 : i32
      %dma_start3A_118 = arith.constant 0 : i32
      %dma_start3A_119 = tpu.memref_slice %arg6[%dma_start3A_117, %dma_start3A_118] : memref<8x128xi32, #tpu.memory_space<vmem>> -> memref<1x128xi32, #tpu.memory_space<vmem>>
      %dma_start3A_120 = tpu.memref_squeeze %dma_start3A_119 : memref<1x128xi32, #tpu.memory_space<vmem>> -> memref<128xi32, #tpu.memory_space<vmem>>
      %dma_start3A_121 = arith.constant 0 : i32
      %dma_start3A_122 = arith.constant 0 : i32
      %dma_start3A_123 = tpu.memref_slice %arg2[%dma_start3A_121, %dma_start3A_122] : memref<20000x144xf32, #tpu.memory_space<hbm>> -> memref<20000x144xf32, #tpu.memory_space<hbm>>
      tpu.enqueue_indirect_dma source(%dma_start3A_123 : memref<20000x144xf32, #tpu.memory_space<hbm>>) target(%arg8 : memref<128x144xf32, #tpu.memory_space<vmem>>) offsets(%dma_start3A_120 : memref<128xi32, #tpu.memory_space<vmem>>) semaphore(%arg11 : memref<!tpu.dma_semaphore, #tpu.memory_space<semaphore_mem>>)
      %dma_wait3A_124 = arith.constant 5 : i32
      %dma_wait3A_125 = arith.constant 0 : i32
      %dma_wait3A_126 = tpu.memref_slice %arg6[%dma_wait3A_124, %dma_wait3A_125] : memref<8x128xi32, #tpu.memory_space<vmem>> -> memref<1x128xi32, #tpu.memory_space<vmem>>
      %dma_wait3A_127 = tpu.memref_squeeze %dma_wait3A_126 : memref<1x128xi32, #tpu.memory_space<vmem>> -> memref<128xi32, #tpu.memory_space<vmem>>
      %dma_wait3A_128 = arith.constant 0 : i32
      %dma_wait3A_129 = arith.constant 0 : i32
      %dma_wait3A_130 = tpu.memref_slice %arg2[%dma_wait3A_128, %dma_wait3A_129] : memref<20000x144xf32, #tpu.memory_space<hbm>> -> memref<20000x144xf32, #tpu.memory_space<hbm>>
      tpu.wait_indirect_dma semaphore(%arg12 : memref<!tpu.dma_semaphore, #tpu.memory_space<semaphore_mem>>) src(%dma_wait3A_130 : memref<20000x144xf32, #tpu.memory_space<hbm>>) dst(%arg9 : memref<128x144xf32, #tpu.memory_space<vmem>>)
      %run_scoped3A_131 = arith.constant 5 : i32
      "tpu.region"() ({
        %run_scoped3A_156 = tpu.sem_alloc : memref<!tpu.dma_semaphore, #tpu.memory_space<semaphore_mem>>
        %dma_start3A_157 = arith.constant 0 : i32
        %dma_start3A_158 = tpu.memref_slice %arg7[%run_scoped3A_131, %dma_start3A_157] : memref<8x128xi32, #tpu.memory_space<vmem>> -> memref<1x128xi32, #tpu.memory_space<vmem>>
        %dma_start3A_159 = tpu.memref_squeeze %dma_start3A_158 : memref<1x128xi32, #tpu.memory_space<vmem>> -> memref<128xi32, #tpu.memory_space<vmem>>
        %dma_start3A_160 = arith.constant 0 : i32
        %dma_start3A_161 = arith.constant 0 : i32
        %dma_start3A_162 = tpu.memref_slice %arg10[%dma_start3A_160, %dma_start3A_161] : memref<10112x144xf32, #tpu.memory_space<vmem_shared>> -> memref<10112x144xf32, #tpu.memory_space<vmem_shared>>
        tpu.enqueue_indirect_dma source(%arg9 : memref<128x144xf32, #tpu.memory_space<vmem>>) target(%dma_start3A_162 : memref<10112x144xf32, #tpu.memory_space<vmem_shared>>) offsets(%dma_start3A_159 : memref<128xi32, #tpu.memory_space<vmem>>) semaphore(%run_scoped3A_156 : memref<!tpu.dma_semaphore, #tpu.memory_space<semaphore_mem>>) {add = true}
        %dma_wait3A_163 = arith.constant 0 : i32
        %dma_wait3A_164 = tpu.memref_slice %arg7[%run_scoped3A_131, %dma_wait3A_163] : memref<8x128xi32, #tpu.memory_space<vmem>> -> memref<1x128xi32, #tpu.memory_space<vmem>>
        %dma_wait3A_165 = tpu.memref_squeeze %dma_wait3A_164 : memref<1x128xi32, #tpu.memory_space<vmem>> -> memref<128xi32, #tpu.memory_space<vmem>>
        %dma_wait3A_166 = arith.constant 0 : i32
        %dma_wait3A_167 = arith.constant 0 : i32
        %dma_wait3A_168 = tpu.memref_slice %arg10[%dma_wait3A_166, %dma_wait3A_167] : memref<10112x144xf32, #tpu.memory_space<vmem_shared>> -> memref<10112x144xf32, #tpu.memory_space<vmem_shared>>
        tpu.wait_indirect_dma semaphore(%run_scoped3A_156 : memref<!tpu.dma_semaphore, #tpu.memory_space<semaphore_mem>>) src(%arg9 : memref<128x144xf32, #tpu.memory_space<vmem>>) dst(%dma_wait3A_168 : memref<10112x144xf32, #tpu.memory_space<vmem_shared>>)
        tpu.yield
      }) : () -> ()
      %dma_start3A_132 = arith.constant 7 : i32
      %dma_start3A_133 = arith.constant 0 : i32
      %dma_start3A_134 = tpu.memref_slice %arg6[%dma_start3A_132, %dma_start3A_133] : memref<8x128xi32, #tpu.memory_space<vmem>> -> memref<1x128xi32, #tpu.memory_space<vmem>>
      %dma_start3A_135 = tpu.memref_squeeze %dma_start3A_134 : memref<1x128xi32, #tpu.memory_space<vmem>> -> memref<128xi32, #tpu.memory_space<vmem>>
      %dma_start3A_136 = arith.constant 0 : i32
      %dma_start3A_137 = arith.constant 0 : i32
      %dma_start3A_138 = tpu.memref_slice %arg2[%dma_start3A_136, %dma_start3A_137] : memref<20000x144xf32, #tpu.memory_space<hbm>> -> memref<20000x144xf32, #tpu.memory_space<hbm>>
      tpu.enqueue_indirect_dma source(%dma_start3A_138 : memref<20000x144xf32, #tpu.memory_space<hbm>>) target(%arg9 : memref<128x144xf32, #tpu.memory_space<vmem>>) offsets(%dma_start3A_135 : memref<128xi32, #tpu.memory_space<vmem>>) semaphore(%arg12 : memref<!tpu.dma_semaphore, #tpu.memory_space<semaphore_mem>>)
      %dma_wait3A_139 = arith.constant 6 : i32
      %dma_wait3A_140 = arith.constant 0 : i32
      %dma_wait3A_141 = tpu.memref_slice %arg6[%dma_wait3A_139, %dma_wait3A_140] : memref<8x128xi32, #tpu.memory_space<vmem>> -> memref<1x128xi32, #tpu.memory_space<vmem>>
      %dma_wait3A_142 = tpu.memref_squeeze %dma_wait3A_141 : memref<1x128xi32, #tpu.memory_space<vmem>> -> memref<128xi32, #tpu.memory_space<vmem>>
      %dma_wait3A_143 = arith.constant 0 : i32
      %dma_wait3A_144 = arith.constant 0 : i32
      %dma_wait3A_145 = tpu.memref_slice %arg2[%dma_wait3A_143, %dma_wait3A_144] : memref<20000x144xf32, #tpu.memory_space<hbm>> -> memref<20000x144xf32, #tpu.memory_space<hbm>>
      tpu.wait_indirect_dma semaphore(%arg11 : memref<!tpu.dma_semaphore, #tpu.memory_space<semaphore_mem>>) src(%dma_wait3A_145 : memref<20000x144xf32, #tpu.memory_space<hbm>>) dst(%arg8 : memref<128x144xf32, #tpu.memory_space<vmem>>)
      %run_scoped3A_146 = arith.constant 6 : i32
      "tpu.region"() ({
        %run_scoped3A_156 = tpu.sem_alloc : memref<!tpu.dma_semaphore, #tpu.memory_space<semaphore_mem>>
        %dma_start3A_157 = arith.constant 0 : i32
        %dma_start3A_158 = tpu.memref_slice %arg7[%run_scoped3A_146, %dma_start3A_157] : memref<8x128xi32, #tpu.memory_space<vmem>> -> memref<1x128xi32, #tpu.memory_space<vmem>>
        %dma_start3A_159 = tpu.memref_squeeze %dma_start3A_158 : memref<1x128xi32, #tpu.memory_space<vmem>> -> memref<128xi32, #tpu.memory_space<vmem>>
        %dma_start3A_160 = arith.constant 0 : i32
        %dma_start3A_161 = arith.constant 0 : i32
        %dma_start3A_162 = tpu.memref_slice %arg10[%dma_start3A_160, %dma_start3A_161] : memref<10112x144xf32, #tpu.memory_space<vmem_shared>> -> memref<10112x144xf32, #tpu.memory_space<vmem_shared>>
        tpu.enqueue_indirect_dma source(%arg8 : memref<128x144xf32, #tpu.memory_space<vmem>>) target(%dma_start3A_162 : memref<10112x144xf32, #tpu.memory_space<vmem_shared>>) offsets(%dma_start3A_159 : memref<128xi32, #tpu.memory_space<vmem>>) semaphore(%run_scoped3A_156 : memref<!tpu.dma_semaphore, #tpu.memory_space<semaphore_mem>>) {add = true}
        %dma_wait3A_163 = arith.constant 0 : i32
        %dma_wait3A_164 = tpu.memref_slice %arg7[%run_scoped3A_146, %dma_wait3A_163] : memref<8x128xi32, #tpu.memory_space<vmem>> -> memref<1x128xi32, #tpu.memory_space<vmem>>
        %dma_wait3A_165 = tpu.memref_squeeze %dma_wait3A_164 : memref<1x128xi32, #tpu.memory_space<vmem>> -> memref<128xi32, #tpu.memory_space<vmem>>
        %dma_wait3A_166 = arith.constant 0 : i32
        %dma_wait3A_167 = arith.constant 0 : i32
        %dma_wait3A_168 = tpu.memref_slice %arg10[%dma_wait3A_166, %dma_wait3A_167] : memref<10112x144xf32, #tpu.memory_space<vmem_shared>> -> memref<10112x144xf32, #tpu.memory_space<vmem_shared>>
        tpu.wait_indirect_dma semaphore(%run_scoped3A_156 : memref<!tpu.dma_semaphore, #tpu.memory_space<semaphore_mem>>) src(%arg8 : memref<128x144xf32, #tpu.memory_space<vmem>>) dst(%dma_wait3A_168 : memref<10112x144xf32, #tpu.memory_space<vmem_shared>>)
        tpu.yield
      }) : () -> ()
      %dma_wait3A_147 = arith.constant 7 : i32
      %dma_wait3A_148 = arith.constant 0 : i32
      %dma_wait3A_149 = tpu.memref_slice %arg6[%dma_wait3A_147, %dma_wait3A_148] : memref<8x128xi32, #tpu.memory_space<vmem>> -> memref<1x128xi32, #tpu.memory_space<vmem>>
      %dma_wait3A_150 = tpu.memref_squeeze %dma_wait3A_149 : memref<1x128xi32, #tpu.memory_space<vmem>> -> memref<128xi32, #tpu.memory_space<vmem>>
      %dma_wait3A_151 = arith.constant 0 : i32
      %dma_wait3A_152 = arith.constant 0 : i32
      %dma_wait3A_153 = tpu.memref_slice %arg2[%dma_wait3A_151, %dma_wait3A_152] : memref<20000x144xf32, #tpu.memory_space<hbm>> -> memref<20000x144xf32, #tpu.memory_space<hbm>>
      tpu.wait_indirect_dma semaphore(%arg12 : memref<!tpu.dma_semaphore, #tpu.memory_space<semaphore_mem>>) src(%dma_wait3A_153 : memref<20000x144xf32, #tpu.memory_space<hbm>>) dst(%arg9 : memref<128x144xf32, #tpu.memory_space<vmem>>)
      %run_scoped3A_154 = arith.constant 7 : i32
      "tpu.region"() ({
        %run_scoped3A_156 = tpu.sem_alloc : memref<!tpu.dma_semaphore, #tpu.memory_space<semaphore_mem>>
        %dma_start3A_157 = arith.constant 0 : i32
        %dma_start3A_158 = tpu.memref_slice %arg7[%run_scoped3A_154, %dma_start3A_157] : memref<8x128xi32, #tpu.memory_space<vmem>> -> memref<1x128xi32, #tpu.memory_space<vmem>>
        %dma_start3A_159 = tpu.memref_squeeze %dma_start3A_158 : memref<1x128xi32, #tpu.memory_space<vmem>> -> memref<128xi32, #tpu.memory_space<vmem>>
        %dma_start3A_160 = arith.constant 0 : i32
        %dma_start3A_161 = arith.constant 0 : i32
        %dma_start3A_162 = tpu.memref_slice %arg10[%dma_start3A_160, %dma_start3A_161] : memref<10112x144xf32, #tpu.memory_space<vmem_shared>> -> memref<10112x144xf32, #tpu.memory_space<vmem_shared>>
        tpu.enqueue_indirect_dma source(%arg9 : memref<128x144xf32, #tpu.memory_space<vmem>>) target(%dma_start3A_162 : memref<10112x144xf32, #tpu.memory_space<vmem_shared>>) offsets(%dma_start3A_159 : memref<128xi32, #tpu.memory_space<vmem>>) semaphore(%run_scoped3A_156 : memref<!tpu.dma_semaphore, #tpu.memory_space<semaphore_mem>>) {add = true}
        %dma_wait3A_163 = arith.constant 0 : i32
        %dma_wait3A_164 = tpu.memref_slice %arg7[%run_scoped3A_154, %dma_wait3A_163] : memref<8x128xi32, #tpu.memory_space<vmem>> -> memref<1x128xi32, #tpu.memory_space<vmem>>
        %dma_wait3A_165 = tpu.memref_squeeze %dma_wait3A_164 : memref<1x128xi32, #tpu.memory_space<vmem>> -> memref<128xi32, #tpu.memory_space<vmem>>
        %dma_wait3A_166 = arith.constant 0 : i32
        %dma_wait3A_167 = arith.constant 0 : i32
        %dma_wait3A_168 = tpu.memref_slice %arg10[%dma_wait3A_166, %dma_wait3A_167] : memref<10112x144xf32, #tpu.memory_space<vmem_shared>> -> memref<10112x144xf32, #tpu.memory_space<vmem_shared>>
        tpu.wait_indirect_dma semaphore(%run_scoped3A_156 : memref<!tpu.dma_semaphore, #tpu.memory_space<semaphore_mem>>) src(%arg9 : memref<128x144xf32, #tpu.memory_space<vmem>>) dst(%dma_wait3A_168 : memref<10112x144xf32, #tpu.memory_space<vmem_shared>>)
        tpu.yield
      }) : () -> ()
      %scan3A_155 = arith.constant 0 : i32
      scf.yield %scan3A_155 : i32
    }
    %scan3A_25 = arith.constant 10 : i32
    %barrier3A_26 = arith.constant 0 : index
    tpu.barrier barrier_id(%barrier3A_26)
    "tpu.region"() ({
      %run_scoped3A = tpu.sem_alloc : memref<!tpu.dma_semaphore, #tpu.memory_space<semaphore_mem>>
      %dma_start3A = arith.constant 0 : i32
      %dma_start3A_27 = arith.constant 0 : i32
      %dma_start3A_28 = tpu.memref_slice %arg5[%arg0, %dma_start3A, %dma_start3A_27] : memref<2x10112x144xf32, #tpu.memory_space<hbm>> -> memref<1x10112x144xf32, #tpu.memory_space<hbm>>
      %dma_start3A_29 = tpu.memref_squeeze %dma_start3A_28 : memref<1x10112x144xf32, #tpu.memory_space<hbm>> -> memref<10112x144xf32, #tpu.memory_space<hbm>>
      %dma_start3A_30 = arith.constant 0 : i32
      %dma_start3A_31 = tpu.memref_slice %dma_start3A_29[%mul3A_8, %dma_start3A_30] : memref<10112x144xf32, #tpu.memory_space<hbm>> -> memref<632x144xf32, #tpu.memory_space<hbm>>
      %dma_start3A_32 = arith.constant 0 : i32
      %dma_start3A_33 = tpu.memref_slice %arg10[%mul3A_8, %dma_start3A_32] : memref<10112x144xf32, #tpu.memory_space<vmem_shared>> -> memref<632x144xf32, #tpu.memory_space<vmem_shared>>
      tpu.enqueue_dma source(%dma_start3A_33 : memref<632x144xf32, #tpu.memory_space<vmem_shared>>) target(%dma_start3A_31 : memref<632x144xf32, #tpu.memory_space<hbm>>) target_semaphore(%run_scoped3A : memref<!tpu.dma_semaphore, #tpu.memory_space<semaphore_mem>>)
      %dma_wait3A = arith.constant 0 : i32
      %dma_wait3A_34 = arith.constant 0 : i32
      %dma_wait3A_35 = tpu.memref_slice %arg5[%arg0, %dma_wait3A, %dma_wait3A_34] : memref<2x10112x144xf32, #tpu.memory_space<hbm>> -> memref<1x10112x144xf32, #tpu.memory_space<hbm>>
      %dma_wait3A_36 = tpu.memref_squeeze %dma_wait3A_35 : memref<1x10112x144xf32, #tpu.memory_space<hbm>> -> memref<10112x144xf32, #tpu.memory_space<hbm>>
      %dma_wait3A_37 = arith.constant 0 : i32
      %dma_wait3A_38 = tpu.memref_slice %dma_wait3A_36[%mul3A_8, %dma_wait3A_37] : memref<10112x144xf32, #tpu.memory_space<hbm>> -> memref<632x144xf32, #tpu.memory_space<hbm>>
      %dma_wait3A_39 = arith.constant 0 : i32
      %dma_wait3A_40 = tpu.memref_slice %arg10[%mul3A_8, %dma_wait3A_39] : memref<10112x144xf32, #tpu.memory_space<vmem_shared>> -> memref<632x144xf32, #tpu.memory_space<vmem_shared>>
      tpu.wait_dma2 semaphore(%run_scoped3A : memref<!tpu.dma_semaphore, #tpu.memory_space<semaphore_mem>>) src(%dma_wait3A_40 : memref<632x144xf32, #tpu.memory_space<vmem_shared>>) dst(%dma_wait3A_38 : memref<632x144xf32, #tpu.memory_space<hbm>>)
      tpu.yield
    }) : () -> ()
    return
  }
}

module attributes {stable_mosaic.version = 14 : i64} {
  func.func @_tc1_body(%arg0: i32, %arg1: memref<1000x256xf32, #tpu.memory_space<vmem>>, %arg2: memref<256x256xf32, #tpu.memory_space<vmem>>, %arg3: memref<1x256xf32, #tpu.memory_space<vmem>>, %arg4: memref<2x1000x144xf32, #tpu.memory_space<vmem>>) attributes {dimension_semantics = [#tpu.dimension_semantics<arbitrary>], iteration_bounds = array<i64: 10>, scalar_prefetch = 0 : i64, scratch_operands = 0 : i64, tpu.core_type = #tpu.core_type<tc>, window_params = [{transform_indices = @transform_0, window_bounds = array<i64: 1000, 256>}, {pipeline_mode = #tpu.pipeline_mode<synchronous>, transform_indices = @transform_1, window_bounds = array<i64: 256, 256>}, {pipeline_mode = #tpu.pipeline_mode<synchronous>, transform_indices = @transform_2, window_bounds = array<i64: 1, 256>}, {transform_indices = @transform_3, window_bounds = array<i64: 2, 1000, 144>}]} {
    %get3A = arith.constant 0 : index
    %get3A_0 = arith.constant 0 : index
    %get3A_1 = vector.load %arg1[%get3A, %get3A_0] : memref<1000x256xf32, #tpu.memory_space<vmem>>, vector<1000x256xf32>
    %get3A_2 = arith.constant 0 : index
    %get3A_3 = arith.constant 0 : index
    %get3A_4 = vector.load %arg2[%get3A_2, %get3A_3] : memref<256x256xf32, #tpu.memory_space<vmem>>, vector<256x256xf32>
    %dot_general3A = arith.constant dense<0.000000e+00> : vector<1000x256xf32>
    %dot_general3A_5 = tpu.matmul %get3A_1, %get3A_4, %dot_general3A {dimension_numbers = #tpu.dot_dimension_numbers<[1], [0], [0], [1], [0, 0, 1, 1], [], []>, transpose_lhs_hint = false} : vector<1000x256xf32>, vector<256x256xf32>, vector<1000x256xf32> -> vector<1000x256xf32>
    %tanh3A = math.tanh %dot_general3A_5 : vector<1000x256xf32>
    %get3A_6 = arith.constant 0 : index
    %get3A_7 = arith.constant 0 : index
    %get3A_8 = vector.load %arg3[%get3A_6, %get3A_7] : memref<1x256xf32, #tpu.memory_space<vmem>>, vector<1x256xf32>
    %mul3A = vector.broadcast %get3A_8 : vector<1x256xf32> to vector<1000x256xf32>
    %mul3A_9 = arith.mulf %tanh3A, %mul3A : vector<1000x256xf32>
    %reduce_sum3A = arith.constant dense<0.000000e+00> : vector<1000xf32>
    %reduce_sum3A_10 = vector.multi_reduction <add>, %mul3A_9, %reduce_sum3A [1] : vector<1000x256xf32> to vector<1000xf32>
    %broadcast_in_dim3A = vector.shape_cast %reduce_sum3A_10 : vector<1000xf32> to vector<1000x1xf32>
    %exp3A = math.exp %broadcast_in_dim3A : vector<1000x1xf32>
    %mul3A_11 = vector.broadcast %exp3A : vector<1000x1xf32> to vector<1000x256xf32>
    %mul3A_12 = arith.mulf %mul3A_11, %get3A_1 : vector<1000x256xf32>
    %slice3A = vector.extract_strided_slice %mul3A_12 {offsets = [0, 0], sizes = [1000, 144], strides = [1, 1]} : vector<1000x256xf32> to vector<1000x144xf32>
    %swap3A = arith.constant 0 : index
    %swap3A_13 = arith.constant 0 : index
    %swap3A_14 = arith.constant 0 : index
    %swap3A_15 = vector.load %arg4[%swap3A, %swap3A_13, %swap3A_14] : memref<2x1000x144xf32, #tpu.memory_space<vmem>>, vector<1x1000x144xf32>
    %swap3A_16 = vector.shape_cast %swap3A_15 : vector<1x1000x144xf32> to vector<1000x144xf32>
    %swap3A_17 = vector.shape_cast %slice3A : vector<1000x144xf32> to vector<1x1000x144xf32>
    tpu.vector_store %arg4[%swap3A, %swap3A_13, %swap3A_14], %swap3A_17 {strides = array<i32>} : memref<2x1000x144xf32, #tpu.memory_space<vmem>>, vector<1x1000x144xf32>,
    %slice3A_18 = vector.extract_strided_slice %mul3A_12 {offsets = [0, 144], sizes = [1000, 112], strides = [1, 1]} : vector<1000x256xf32> to vector<1000x112xf32>
    %broadcast_in_dim3A_19 = arith.constant 0.000000e+00 : f32
    %broadcast_in_dim3A_20 = vector.broadcast %broadcast_in_dim3A_19 : f32 to vector<1000x31xf32>
    %concatenate3A = tpu.concatenate %slice3A_18, %exp3A, %broadcast_in_dim3A_20 in 1 : vector<1000x112xf32>, vector<1000x1xf32>, vector<1000x31xf32> -> vector<1000x144xf32>
    %swap3A_21 = arith.constant 1 : index
    %swap3A_22 = arith.constant 0 : index
    %swap3A_23 = arith.constant 0 : index
    %swap3A_24 = vector.load %arg4[%swap3A_21, %swap3A_22, %swap3A_23] : memref<2x1000x144xf32, #tpu.memory_space<vmem>>, vector<1x1000x144xf32>
    %swap3A_25 = vector.shape_cast %swap3A_24 : vector<1x1000x144xf32> to vector<1000x144xf32>
    %swap3A_26 = vector.shape_cast %concatenate3A : vector<1000x144xf32> to vector<1x1000x144xf32>
    tpu.vector_store %arg4[%swap3A_21, %swap3A_22, %swap3A_23], %swap3A_26 {strides = array<i32>} : memref<2x1000x144xf32, #tpu.memory_space<vmem>>, vector<1x1000x144xf32>,
    return
  }
  func.func @transform_0(%arg0: i32) -> (i32, i32) {
    %c0_i32 = arith.constant 0 : i32
    %c0_i32_0 = arith.constant 0 : i32
    return %arg0, %c0_i32 : i32, i32
  }
  func.func @transform_1(%arg0: i32) -> (i32, i32) {
    %c0_i32 = arith.constant 0 : i32
    %c0_i32_0 = arith.constant 0 : i32
    %c0_i32_1 = arith.constant 0 : i32
    return %c0_i32, %c0_i32_0 : i32, i32
  }
  func.func @transform_2(%arg0: i32) -> (i32, i32) {
    %c0_i32 = arith.constant 0 : i32
    %c0_i32_0 = arith.constant 0 : i32
    %c0_i32_1 = arith.constant 0 : i32
    return %c0_i32, %c0_i32_0 : i32, i32
  }
  func.func @transform_3(%arg0: i32) -> (i32, i32, i32) {
    %c0_i32 = arith.constant 0 : i32
    %c0_i32_0 = arith.constant 0 : i32
    %c0_i32_1 = arith.constant 0 : i32
    return %c0_i32, %arg0, %c0_i32_0 : i32, i32, i32
  }
}

module attributes {stable_mosaic.version = 14 : i64} {
  func.func @_tc2_body(%arg0: i32, %arg1: memref<2x1000x144xf32, #tpu.memory_space<vmem>>, %arg2: memref<1000x256xf32, #tpu.memory_space<vmem>>) attributes {dimension_semantics = [#tpu.dimension_semantics<arbitrary>], iteration_bounds = array<i64: 10>, scalar_prefetch = 0 : i64, scratch_operands = 0 : i64, tpu.core_type = #tpu.core_type<tc>, window_params = [{transform_indices = @transform_0, window_bounds = array<i64: 2, 1000, 144>}, {transform_indices = @transform_1, window_bounds = array<i64: 1000, 256>}]} {
    %get3A = arith.constant 0 : index
    %get3A_0 = arith.constant 0 : index
    %get3A_1 = arith.constant 0 : index
    %get3A_2 = vector.load %arg1[%get3A, %get3A_0, %get3A_1] : memref<2x1000x144xf32, #tpu.memory_space<vmem>>, vector<1x1000x144xf32>
    %get3A_3 = vector.shape_cast %get3A_2 : vector<1x1000x144xf32> to vector<1000x144xf32>
    %get3A_4 = arith.constant 1 : index
    %get3A_5 = arith.constant 0 : index
    %get3A_6 = arith.constant 0 : index
    %get3A_7 = vector.load %arg1[%get3A_4, %get3A_5, %get3A_6] : memref<2x1000x144xf32, #tpu.memory_space<vmem>>, vector<1x1000x144xf32>
    %get3A_8 = vector.shape_cast %get3A_7 : vector<1x1000x144xf32> to vector<1000x144xf32>
    %slice3A = vector.extract_strided_slice %get3A_8 {offsets = [0, 112], sizes = [1000, 1], strides = [1, 1]} : vector<1000x144xf32> to vector<1000x1xf32>
    %gt3A = arith.constant 0.000000e+00 : f32
    %gt3A_9 = vector.broadcast %gt3A : f32 to vector<1000x1xf32>
    %gt3A_10 = arith.cmpf ogt, %slice3A, %gt3A_9 : vector<1000x1xf32>
    %div3A = arith.constant 1.000000e+00 : f32
    %div3A_11 = vector.broadcast %div3A : f32 to vector<1000x1xf32>
    %div3A_12 = arith.divf %div3A_11, %slice3A : vector<1000x1xf32>
    %jit3A = arith.constant 0.000000e+00 : f32
    %broadcast_in_dim3A = vector.broadcast %jit3A : f32 to vector<1000x1xf32>
    %select_n3A = arith.select %gt3A_10, %div3A_12, %broadcast_in_dim3A : vector<1000x1xi1>, vector<1000x1xf32>
    %mul3A = vector.broadcast %select_n3A : vector<1000x1xf32> to vector<1000x144xf32>
    %mul3A_13 = arith.mulf %get3A_3, %mul3A : vector<1000x144xf32>
    %slice3A_14 = vector.extract_strided_slice %get3A_8 {offsets = [0, 0], sizes = [1000, 112], strides = [1, 1]} : vector<1000x144xf32> to vector<1000x112xf32>
    %mul3A_15 = vector.broadcast %select_n3A : vector<1000x1xf32> to vector<1000x112xf32>
    %mul3A_16 = arith.mulf %slice3A_14, %mul3A_15 : vector<1000x112xf32>
    %concatenate3A = tpu.concatenate %mul3A_13, %mul3A_16 in 1 : vector<1000x144xf32>, vector<1000x112xf32> -> vector<1000x256xf32>
    %swap3A = arith.constant 0 : index
    %swap3A_17 = arith.constant 0 : index
    %swap3A_18 = vector.load %arg2[%swap3A, %swap3A_17] : memref<1000x256xf32, #tpu.memory_space<vmem>>, vector<1000x256xf32>
    tpu.vector_store %arg2[%swap3A, %swap3A_17], %concatenate3A {strides = array<i32>} : memref<1000x256xf32, #tpu.memory_space<vmem>>, vector<1000x256xf32>,
    return
  }
  func.func @transform_0(%arg0: i32) -> (i32, i32, i32) {
    %c0_i32 = arith.constant 0 : i32
    %c0_i32_0 = arith.constant 0 : i32
    %c0_i32_1 = arith.constant 0 : i32
    return %c0_i32, %arg0, %c0_i32_0 : i32, i32, i32
  }
  func.func @transform_1(%arg0: i32) -> (i32, i32) {
    %c0_i32 = arith.constant 0 : i32
    %c0_i32_0 = arith.constant 0 : i32
    return %arg0, %c0_i32 : i32, i32
  }
}

</mosaic_0001>

<sc_bundles>
// kernel: kernel.5.cloned.1.call-start
scs
__scs_entry_jumppad:
0x0: {  	(pc) =	sbr.rel $0x88, $3  }
0x1: {  	(tag) =	ssettag $0x0;
	lr =	simm.s32 $0x1  }
0x2: {  	[smem:$0x3F9D] =	sst lr;
	_ =	strace $0xD0000000  }
0x3: {  	_ = 	snop  }
0x4: {  	_ = 	snop  }
0x5: {  	_ = 	snop  }
0x6: {  	_ = 	snop  }
0x7: {  	_ = 	snop  }
__scs_overlays_trampoline_lowered:
0x8: {  	[smem:$0x3FAC] =	sst s0  }
0x9: {  	[smem:$0x3FAD] =	sst s1  }
0xa: {  	[smem:$0x3FAE] =	sst s2  }
0xb: {  	[smem:$0x3FAF] =	sst s3  }
0xc: {  	[smem:$0x3FB0] =	sst s4  }
0xd: {  	[smem:$0x3FB1] =	sst s5  }
0xe: {  	[smem:$0x3FB2] =	sst s6  }
0xf: {  	[smem:$0x3FB3] =	sst s7  }
0x10: {  	[smem:$0x3FB4] =	sst s8  }
0x11: {  	[smem:$0x3FB5] =	sst s9;
	s0 =	simm.s32 @!p0 $0x0  }
0x12: {  	s1 =	sld [smem:$0x3F9B];
	s0 =	simm.s32 @p0 $0x1  }
0x13: {  	[smem:$0x3FB6] =	sst s0;
	s0 =	simm.s32 @!p1 $0x0  }
0x14: {  	s2 =	sld [smem:$0x3F9A];
	s0 =	simm.s32 @p1 $0x1  }
0x15: {  	[smem:$0x3FB7] =	sst s0;
	s0 =	simm.s32 @!p2 $0x0  }
0x16: {  	s3 =	sld [smem:$0x3FDB];
	s0 =	simm.s32 @p2 $0x1  }
0x17: {  	s4 =	simm.s32 $0x1BF5;
	[smem:$0x3FB9] =	sst s0  }
0x18: {  	s0 =	sld [smem:$0x3F9C];
	_ =	swait.ge [sflag:s4], $0x0  }
0x19: {  	s7 =	sld [smem:$0x3F9D]  }
0x1a: {  	s8 =	sadd.s32 $0xFFFFE003, lr  }
0x1b: {  	s9 =	sadd.s32 $0xFFFFFEF7, lr;
	s5 =	simm.s32 $0xFFFFFFFF;
	p2 =	slt.u32 s8, $0xFFFFF086  }
0x1c: {  	p1 =	slt.u32 s9, $0xF7A;
	s5 =	simm.s32 @!p2 $0x0  }
0x1d: {  	s5 =	simm.s32 @p1 $0x1;
	p0 =	seq.s32 s7, s2  }
0x1e: {  	s7 =	smul.u32 @!p0 $0xF7A, s2;
	p2 =	seq.s32 @!p0 s5, $0x0  }
0x1f: {  	s9 =	smul.u32 $0xF7A, s1;
	s8 =	simm.s32 @!p0 $0x1BF5;
	p2 =	por !p2, p0  }
0x20: {  	[sflag:s8] =	ssyncset.s32 @!p0 $0xFFFFF086;
	s6 =	sadd.s32 @!p0 s3, s7;
	s7 =	simm.s32 @!p0 $0x108  }
0x21: {  	s3 =	sadd.s32 s3, s9;
	s6 =	sadd.s32 @!p0 $0x88, s6;
	s7 =	simm.s32 @p2 $0x1082  }
0x22: {  	[simem:s7], [sflag:s8] =	dma.local @!p0 [hbm:s6], $0xF7A  }
0x23: {  	s9 =	sor.u32 $0xD0000000, s2;
	s6 =	simm.s32 $0x108;
	_ =	swait.ge @!p0 [sflag:s8], $0x0  }
0x24: {  	s3 =	sadd.s32 $0x88, s3;
	s6 =	simm.s32 @!p1 $0x1082;
	[sflag:s4] =	ssyncset.s32 $0xFFFFF086  }
0x25: {  	[simem:s6], [sflag:s4] =	dma.local [hbm:s3], $0xF7A  }
0x26: {  	[smem:$0x3F9D] =	sst s1;
	(tag) =	ssettag s2;
	_ =	strace s9  }
0x27: {  	s1 =	sld [smem:$0x3FAD]  }
0x28: {  	s2 =	sld [smem:$0x3FAE]  }
0x29: {  	s4 =	sld [smem:$0x3FB0]  }
0x2a: {  	p0 =	seq.s32 s5, $0x0;
	s5 =	sld [smem:$0x3FB1]  }
0x2b: {  	s6 =	sld [smem:$0x3FB2]  }
0x2c: {  	s7 =	sld [smem:$0x3FB3]  }
0x2d: {  	s3 =	simm.s32 $0x108;
	s8 =	sld [smem:$0x3FB4]  }
0x2e: {  	s3 =	simm.s32 @!p0 $0x1082;
	s9 =	sld [smem:$0x3FB5]  }
0x2f: {  	lr =	sadd.s32 s0, s3;
	s0 =	sld [smem:$0x3FAC]  }
0x30: {  	s3 =	sld [smem:$0x3FAF]  }
0x31: {  	[smem:$0x3FB8] =	sst s10  }
0x32: {  	s10 =	sld [smem:$0x3FB6];
	_ =	sdelay $0x3  }
0x33: {  	p0 =	seq.s32 s10, $0x1;
	s10 =	sld [smem:$0x3FB8];
	_ =	sdelay $0x3  }
0x34: {  	[smem:$0x3FB8] =	sst s10  }
0x35: {  	s10 =	sld [smem:$0x3FB7];
	_ =	sdelay $0x3  }
0x36: {  	p1 =	seq.s32 s10, $0x1;
	s10 =	sld [smem:$0x3FB8];
	_ =	sdelay $0x3  }
0x37: {  	[smem:$0x3FB8] =	sst s10  }
0x38: {  	s10 =	sld [smem:$0x3FB9]  }
0x39: {  	_ = 	snop;
	(pc) =	sbr.ind lr, $3  }
0x3a: {  	_ = 	snop  }
0x3b: {  	_ = 	snop  }
0x3c: {  	p2 =	seq.s32 s10, $0x1;
	s10 =	sld [smem:$0x3FB8]  }
0x3d: {  	_ =	shalt  }
0x3e: {  	_ =	shalt  }
0x3f: {  	_ =	shalt  }
0x40: {  	_ =	shalt  }
0x41: {  	_ =	shalt  }
0x42: {  	_ =	shalt  }
0x43: {  	_ =	shalt  }
0x44: {  	_ =	shalt  }
0x45: {  	_ =	shalt  }
0x46: {  	_ =	shalt  }
0x47: {  	_ =	shalt  }
0x48: {  	_ =	shalt  }
0x49: {  	_ =	shalt  }
0x4a: {  	_ =	shalt  }
0x4b: {  	_ =	shalt  }
0x4c: {  	_ =	shalt  }
0x4d: {  	_ =	shalt  }
0x4e: {  	_ =	shalt  }
0x4f: {  	_ =	shalt  }
0x50: {  	_ =	shalt  }
0x51: {  	_ =	shalt  }
0x52: {  	_ =	shalt  }
0x53: {  	_ =	shalt  }
0x54: {  	_ =	shalt  }
0x55: {  	_ =	shalt  }
0x56: {  	_ =	shalt  }
0x57: {  	_ =	shalt  }
0x58: {  	_ =	shalt  }
0x59: {  	_ =	shalt  }
0x5a: {  	_ =	shalt  }
0x5b: {  	_ =	shalt  }
0x5c: {  	_ =	shalt  }
0x5d: {  	_ =	shalt  }
0x5e: {  	_ =	shalt  }
0x5f: {  	_ =	shalt  }
0x60: {  	_ =	shalt  }
0x61: {  	_ =	shalt  }
0x62: {  	_ =	shalt  }
0x63: {  	_ =	shalt  }
0x64: {  	_ =	shalt  }
0x65: {  	_ =	shalt  }
0x66: {  	_ =	shalt  }
0x67: {  	_ =	shalt  }
0x68: {  	_ =	shalt  }
0x69: {  	_ =	shalt  }
0x6a: {  	_ =	shalt  }
0x6b: {  	_ =	shalt  }
0x6c: {  	_ =	shalt  }
0x6d: {  	_ =	shalt  }
0x6e: {  	_ =	shalt  }
0x6f: {  	_ =	shalt  }
0x70: {  	_ =	shalt  }
0x71: {  	_ =	shalt  }
0x72: {  	_ =	shalt  }
0x73: {  	_ =	shalt  }
0x74: {  	_ =	shalt  }
0x75: {  	_ =	shalt  }
0x76: {  	_ =	shalt  }
0x77: {  	_ =	shalt  }
0x78: {  	_ =	shalt  }
0x79: {  	_ =	shalt  }
0x7a: {  	_ =	shalt  }
0x7b: {  	_ =	shalt  }
0x7c: {  	_ =	shalt  }
0x7d: {  	_ =	shalt  }
0x7e: {  	_ =	shalt  }
0x7f: {  	_ =	shalt  }
0x80: {  	_ =	shalt  }
0x81: {  	_ =	shalt  }
0x82: {  	_ =	shalt  }
0x83: {  	_ =	shalt  }
0x84: {  	_ =	shalt  }
0x85: {  	_ =	shalt  }
0x86: {  	_ =	shalt  }
0x87: {  	_ =	shalt  }
.Lfunc_end0:
.L_simem_size_0:
called_computation_lowered:
.L_overlay_start_0:
0x88: {  	s2 =	sld [smem:$0x3FD9]  }
0x89: {  	s3 =	sld [smem:$0x3FFE];
	_ =	sdelay $0x1  }
0x8a: {  	s1 =	srdreg.scid  }
0x8b: {  	s0 =	sand.u32 $0x1, s1  }
0x8c: {  	s17 =	sshll.u32 s0, $0xA;
	s2 =	sadd.s32 s3, s2  }
0x8d: {  	s2 =	sadd.s32 s2, s17  }
0x8e: {  	[smem:$0x3FC4] =	sst s2  }
0x8f: {  	_ = 	snop  }
0x90: {  	s2 =	sld [smem:$0x3FD0];
	(tm) =	ssettm $0x1  }
0x91: {  	s18 =	sld [smem:$0x3FFB];
	_ =	sdelay $0x3  }
0x92: {  	_ =	strace s18  }
0x93: {  	s3 =	sld [smem:$0x3FFC];
	_ =	sdelay $0x3  }
0x94: {  	_ =	strace s3  }
0x95: {  	s3 =	sld [smem:$0x3FFD];
	_ =	sdelay $0x3  }
0x96: {  	_ =	strace s3  }
0x97: {  	_ =	strace $0x8FFFFFFF  }
0x98: {  	s19 =	sld [smem:$0x3FDB];
	_ =	sdelay $0x1  }
0x99: {  	s4 =	simm.s32 $_scs_section_size  }
0x9a: {  	s5 =	simm.s32 $_size__tile_overlayer_lowered;
	s6 =	simm.s32 $_tile_overlayer_lowered  }
0x9b: {  	s22 =	simm.s32 $0x1BFF;
	s21 =	sshll.u32 s6, $0x1;
	s3 =	sadd.s32 s4, s19  }
0x9c: {  	s7 =	simm.s32 $0x0;
	s20 =	sshll.u32 s5, $0x1;
	s5 =	sadd.s32 s21, s3  }
0x9d: {  	[timem:s7], [sflag:s22] =	dma.local [hbm:s5], s20  }
0x9e: {  	_ =	swait.ge [sflag:s22], s20  }
0x9f: {  	s4 =	ssub.s32 $0x0, s20;
	[sflag:s22] =	ssyncset.done $0x0  }
0xa0: {  	[sflag:s22] =	ssyncadd.s32 s4;
	_ =	sdelay $0x1  }
0xa1: {  	s23 =	simm.s32 $0x1B8B  }
0xa2: {  	_ =	swait.ge [sflag:s23], $0x1  }
0xa3: {  	[sflag:s23] =	ssyncset.done $0x0  }
0xa4: {  	s25 =	simm.s32 $0x1B8E;
	s24 =	sld [smem:$0x3FFE];
	[sflag:s23] =	ssyncadd.s32 $0xFFFFFFFF  }
0xa5: {  	s26 =	simm.s32 $execute0_lowered;
	[smem:$0x3FD2] =	sst s25  }
0xa6: {  	s5 =	sshll.u32 s26, $0x1;
	_ =	strace $0x80000046;
	[dreg:$0x1] =	wrdreg $0xFFFFFFFF  }
0xa7: {  	s28 =	simm.s32 $_size_execute0_lowered;
	s3 =	sadd.s32 s3, s5;
	[dreg:$0x0] =	wrdreg $0x0  }
0xa8: {  	s5 =	sshll.u32 s28, $0x1;
	[dreg:$0x2] =	wrdreg s3  }
0xa9: {  	[dreg:$0x3] =	wrdreg s5  }
0xaa: {  	[dreg:$0x4] =	wrdreg $0xC0  }
0xab: {  	_ =	task [dreg:s7], $0x5FFFF  }
0xac: {  	[dreg:$0x1] =	wrdreg $0xFFFFFFFF  }
0xad: {  	[dreg:$0x0] =	wrdreg $0x60  }
0xae: {  	[dreg:$0x2] =	wrdreg s24  }
0xaf: {  	[dreg:$0x3] =	wrdreg s2  }
0xb0: {  	[dreg:$0x4] =	wrdreg $0x98000  }
0xb1: {  	[dreg:$0x5] =	wrdreg $0x9  }
0xb2: {  	_ =	task.clear_ibuf [dreg:s7], $0x6FFFF;
	_ =	strace $0x90000046  }
0xb3: {  	s29 =	simm.s32 $0x9;
	_ =	strace $0x80000048  }
0xb4: {  	_ =	swait.ge [sflag:s29], $0x1  }
0xb5: {  	[sflag:s29] =	ssyncadd.s32 $0xFFFFFFFF  }
0xb6: {  	_ =	strace $0x90000048  }
0xb7: {  	_ =	sfence  }
0xb8: {  	s30 =	sld [smem:$0x0];
	_ =	sdelay $0x2  }
0xb9: {  	s31 =	sshll.u32 s1, $0xD;
	s1 =	sshrl.u32 s1, $0x2  }
0xba: {  	s3 =	sand.u32 $0x4000, s31;
	s1 =	sadd.s32 s1, s30  }
0xbb: {  	s0 =	sor.u32 s3, s0;
	s1 =	sshll.u32 s1, $0x11  }
0xbc: {  	s0 =	sor.u32 s1, s0  }
0xbd: {  	s0 =	sadd.s32 $0x8F2B, s0  }
0xbe: {  	[sflag:s0] =	ssyncadd.remote.s32 $0x1  }
0xbf: {  	_ =	sfence.sel $0xFFFF  }
0xc0: {  	[dreg:$0x0] =	wrdreg $0xFFFFFFFF;
	(pc) =	sbr.abs _section_cstart, $3  }
0xc1: {  	[dreg:$0x1] =	wrdreg $0xFFFFFFFF  }
0xc2: {  	_ =	task.clear_ibuf [dreg:s7], $0x2FFFF;
	_ =	strace $0x9FFFFFFF  }
0xc3: {  	(tm) =	ssettm $0x7FFFFFFF  }
tec
execute0_lowered:
.L_overlay_start_1:
0x0: {  	(tag) =	ssettag $0x1  }
0x1: {  	s0 =	rddreg [dreg:$0x0]  }
0x2: {  	s1 =	rddreg [dreg:$0x1]  }
0x3: {  	s2 =	rddreg [dreg:$0x2];
	s3 =	simm.s32 $0x0  }
0x4: {  	s12 =	stileid.u32;
	s5 =	srdreg.scid;
	s13 =	simm.s32 $0x800  }
0x5: {  	s14 =	simm.s32 $0x3;
	s15 =	simm.s32 $0x400;
	s16 =	simm.s32 $0x80  }
0x6: {  	s17 =	simm.s32 $0x5000;
	s28 =	simm.s32 $0x280;
	s6 =	smul.u32 $0x500, s12  }
0x7: {  	s29 =	simm.s32 $0x600;
	s30 =	simm.s32 $0x300;
	s7 =	smul.u32 $0x58E00, s12  }
0x8: {  	s31 =	simm.s32 $0x680;
	s5 =	sand.u32 $0x1, s5;
	s12 =	smul.u32 $0x16380, s12  }
0x9: {  	[smem:$0x7FF] =	sst s3;
	s4 =	sadd.s32 $0x9C600, s0;
	s9 =	smul.u32 $0x2C700, s5  }
0xa: {  	_ =	strace $0x80000047;
	s10 =	ssub.s32 $0x2, s5;
	s23 =	smul.u32 $0x2710, s5  }
0xb: {  	s8 =	sadd.s32 s6, s0;
	s11 =	sshrl.u32 s10, $0x1;
	s7 =	sshrl.u32 s7, $0x2  }
0xc: {  	s19 =	sadd.s32 s12, s2;
	s25 =	sshrl.u32 s12, $0x3;
	s0 =	sadd.s32 s9, s0  }
0xd: {  	s18 =	ssub.s32 s10, s11;
	s7 =	sadd.s32 s7, s2;
	[dreg:$0x4] =	wrdreg s19  }
0xe: {  	s10 =	sadd.s32 s1, s6;
	s11 =	sadd.s32 $0x200, s8;
	s20 =	sadd.s32 $0x4800, s7  }
0xf: {  	s19 =	simm.s32 $0x100;
	s21 =	sadd.s32 $0x9000, s7;
	[dreg:$0x5] =	wrdreg s20  }
0x10: {  	s1 =	simm.s32 $0x700;
	s22 =	sadd.s32 $0xD800, s7;
	[dreg:$0x6] =	wrdreg s21  }
0x11: {  	s6 =	simm.s32 $0x780;
	s24 =	sadd.s32 $0x12000, s7;
	[dreg:$0x7] =	wrdreg s22  }
0x12: {  	s0 =	sadd.s32 $0x5200, s0;
	s26 =	smax.u32 s18, $0x1;
	[dreg:$0x8] =	wrdreg s24  }
0x13: {  	s18 =	simm.s32 $0x1;
	s7 =	simm.s32 $0x0;
	[dreg:$0x9] =	wrdreg s26  }
0x14: {  	s20 =	simm.s32 $0x2;
	s21 =	simm.s32 $0x480;
	s22 =	simm.s32 $0x180  }
0x15: {  	s0 =	sadd.s32 s25, s0;
	s24 =	simm.s32 $0x500;
	s25 =	simm.s32 $0x200  }
0x16: {  	v1 =	vimm.f32 $0.0e+00;
	v0 =	vmov s23;
	s26 =	simm.s32 $0x580;
	[dreg:$0xa] =	wrdreg s0;
	s0 =	simm.s32 $0x380  }
.LBB2_1:
0x17: {  	s8 =	simm.s32 $0x0;
	s9 =	simm.s32 $0x240  }
.LBB2_2:
0x18: {  	p0 =	sne.s32 s9, $0x11DC0;
	[tilespmem:s8+$0x880] =	vst v1  }
0x19: {  	[tilespmem:s8+$0x800] =	vst v1  }
0x1a: {  	[tilespmem:s8+$0x810] =	vst v1  }
0x1b: {  	[tilespmem:s8+$0x820] =	vst v1  }
.Ltmp0:
0x1c: {  	[tilespmem:s8+$0x830] =	vst v1;
	(pc) =	sbr.rel @p0 .LBB2_2-.Ltmp0, $4  }
0x1d: {  	[tilespmem:s8+$0x840] =	vst v1  }
0x1e: {  	[tilespmem:s8+$0x850] =	vst v1  }
0x1f: {  	[tilespmem:s8+$0x860] =	vst v1  }
0x20: {  	[tilespmem:s8+$0x870] =	vst v1;
	s8 =	sshra.s32 s9, $0x2;
	s9 =	sadd.s32 $0x240, s9  }
0x21: {  	[tilespmem:s8+$0x880] =	vst v1  }
0x22: {  	[tilespmem:s8+$0x800] =	vst v1  }
0x23: {  	[tilespmem:s8+$0x810] =	vst v1  }
0x24: {  	[tilespmem:s8+$0x820] =	vst v1  }
0x25: {  	[tilespmem:s8+$0x830] =	vst v1  }
0x26: {  	[tilespmem:s8+$0x840] =	vst v1  }
0x27: {  	[tilespmem:s8+$0x850] =	vst v1  }
0x28: {  	[tilespmem:s8+$0x860] =	vst v1  }
0x29: {  	[tilespmem:s8+$0x870] =	vst v1;
	s5 =	rddreg [dreg:$0x4]  }
0x2a: {  	[spmem:s5] =	stream.linear.scatter [tilespmem:s13], [sflag:$0x3], $0x4800, $0x38;
	[tilespmem:$0x1FB80] =	vst v63  }
0x2b: {  	_ =	swait.ge [sflag:s14], $0x4800  }
0x2c: {  	[sflag:s14] =	ssyncset.done $0x0  }
0x2d: {  	s8 =	rddreg [dreg:$0x5];
	[sflag:s14] =	ssyncadd.s32 $0xFFFFB800  }
0x2e: {  	[spmem:s8] =	stream.linear.scatter [tilespmem:s13], [sflag:$0x3], $0x4800, $0x38;
	[tilespmem:$0x1FB80] =	vst v63  }
0x2f: {  	_ =	swait.ge [sflag:s14], $0x4800  }
0x30: {  	[sflag:s14] =	ssyncset.done $0x0  }
0x31: {  	s9 =	rddreg [dreg:$0x6];
	[sflag:s14] =	ssyncadd.s32 $0xFFFFB800  }
0x32: {  	[spmem:s9] =	stream.linear.scatter [tilespmem:s13], [sflag:$0x3], $0x4800, $0x38;
	[tilespmem:$0x1FB80] =	vst v63  }
0x33: {  	_ =	swait.ge [sflag:s14], $0x4800  }
0x34: {  	[sflag:s14] =	ssyncset.done $0x0  }
0x35: {  	s12 =	rddreg [dreg:$0x7];
	[sflag:s14] =	ssyncadd.s32 $0xFFFFB800  }
0x36: {  	[spmem:s12] =	stream.linear.scatter [tilespmem:s13], [sflag:$0x3], $0x4800, $0x38;
	[tilespmem:$0x1FB80] =	vst v63  }
0x37: {  	_ =	swait.ge [sflag:s14], $0x4800  }
0x38: {  	[sflag:s14] =	ssyncset.done $0x0  }
0x39: {  	s23 =	rddreg [dreg:$0x8];
	[sflag:s14] =	ssyncadd.s32 $0xFFFFB800  }
0x3a: {  	[spmem:s23] =	stream.linear.scatter [tilespmem:s13], [sflag:$0x3], $0x4380, $0x38;
	[tilespmem:$0x1FB80] =	vst v63  }
0x3b: {  	_ =	swait.ge [sflag:s14], $0x4380  }
0x3c: {  	[sflag:s14] =	ssyncset.done $0x0  }
0x3d: {  	[sflag:s14] =	ssyncadd.s32 $0xFFFFBC80  }
0x3e: {  	s8 =	simm.s32 $0x0;
	s9 =	simm.s32 $0x0;
	[bflag:$0x0] =	sbarrier.arrive $0xFFFF  }
.LBB2_4:
0x3f: {  	s12 =	sshll.u32 s9, $0x7  }
0x40: {  	s23 =	sadd.s32 s12, s10  }
0x41: {  	[tilespmem:s8], [sflag:$0x3] =	stream.linear.gather [hbm4b:s23+s8], $0x400, $0x38;
	[tilespmem:$0x1FB80] =	vst v63  }
0x42: {  	_ =	swait.ge [sflag:s14], $0x400  }
0x43: {  	[sflag:s14] =	ssyncset.done $0x0  }
0x44: {  	s12 =	sadd.s32 s12, s11;
	[sflag:s14] =	ssyncadd.s32 $0xFFFFFC00  }
0x45: {  	[tilespmem:s15], [sflag:$0x3] =	stream.linear.gather [hbm4b:s12+s8], $0x400, $0x38;
	[tilespmem:$0x1FB80] =	vst v63  }
0x46: {  	_ =	swait.ge [sflag:s14], $0x400  }
0x47: {  	[sflag:s14] =	ssyncset.done $0x0  }
0x48: {  	s12 =	simm.s32 $0x0;
	[sflag:s14] =	ssyncadd.s32 $0xFFFFFC00  }
0x49: {  	v4 =	vld [tilespmem:s12+$0x0]  }
0x4a: {  	v6 =	vld [tilespmem:s12+$0x10]  }
0x4b: {  	v5 =	vld [tilespmem:s12+$0x20]  }
0x4c: {  	v3 =	vld [tilespmem:s12+$0x30]  }
0x4d: {  	v2 =	vld [tilespmem:s12+$0x40]  }
0x4e: {  	v7 =	vadd.s32 v0, v4;
	v4 =	vld [tilespmem:s12+$0x50]  }
0x4f: {  	s23 =	simm.s32 $0x200;
	[tilespmem:s12+$0x0] =	vst v7;
	v7 =	vadd.s32 v0, v6;
	v6 =	vld [tilespmem:s12+$0x60]  }
.LBB2_5:
0x50: {  	s5 =	sshra.s32 s23, $0x2;
	p0 =	sne.s32 s23, $0xE00;
	[tilespmem:s12+$0x10] =	vst v7;
	v5 =	vadd.s32 v0, v5;
	v7 =	vld [tilespmem:s12+$0x70]  }
0x51: {  	v8 =	vld [tilespmem:s5+$0x0];
	[tilespmem:s12+$0x20] =	vst v5;
	v3 =	vadd.s32 v0, v3  }
0x52: {  	v9 =	vld [tilespmem:s5+$0x10];
	[tilespmem:s12+$0x30] =	vst v3;
	v2 =	vadd.s32 v0, v2  }
.Ltmp1:
0x53: {  	v5 =	vld [tilespmem:s5+$0x20];
	[tilespmem:s12+$0x40] =	vst v2;
	v2 =	vadd.s32 v0, v4;
	(pc) =	sbr.rel @p0 .LBB2_5-.Ltmp1, $4  }
0x54: {  	v3 =	vld [tilespmem:s5+$0x30];
	[tilespmem:s12+$0x50] =	vst v2;
	v4 =	vadd.s32 v0, v6  }
0x55: {  	v2 =	vld [tilespmem:s5+$0x40];
	[tilespmem:s12+$0x60] =	vst v4;
	v6 =	vadd.s32 v0, v7  }
0x56: {  	v7 =	vadd.s32 v0, v8;
	v4 =	vld [tilespmem:s5+$0x50];
	[tilespmem:s12+$0x70] =	vst v6;
	s12 =	smov.u32 s5  }
0x57: {  	s23 =	sadd.s32 $0x200, s23;
	[tilespmem:s12+$0x0] =	vst v7;
	v7 =	vadd.s32 v0, v9;
	v6 =	vld [tilespmem:s12+$0x60]  }
0x58: {  	[tilespmem:s12+$0x10] =	vst v7;
	v5 =	vadd.s32 v0, v5;
	v63 =	vld [tilespmem:s12+$0x70]  }
0x59: {  	[tilespmem:s12+$0x20] =	vst v5;
	v3 =	vadd.s32 v0, v3  }
0x5a: {  	[tilespmem:s12+$0x30] =	vst v3;
	v2 =	vadd.s32 v0, v2  }
0x5b: {  	[tilespmem:s12+$0x40] =	vst v2;
	v2 =	vadd.s32 v0, v4  }
0x5c: {  	[tilespmem:s12+$0x50] =	vst v2;
	v2 =	vadd.s32 v0, v6  }
0x5d: {  	[tilespmem:s12+$0x60] =	vst v2;
	v2 =	vadd.s32 v0, v63  }
0x5e: {  	[tilespmem:s12+$0x70] =	vst v2  }
0x5f: {  	[tilespmem:s13], [sflag:$0x1] =	stream.indirect.gather [hbm4b:s4+s16], $0x90, s3, s16, $0xb8;
	[tilespmem:$0x1FB80] =	vst v63  }
0x60: {  	_ = 	snop  }
0x61: {  	[tilespmem:s17], [sflag:$0x2] =	stream.indirect.gather [hbm4b:s4+s16], $0x90, s16, s16, $0xb8;
	[tilespmem:$0x1FB80] =	vst v63  }
0x62: {  	_ =	swait.ge [sflag:s18], $0x4800  }
0x63: {  	[sflag:s18] =	ssyncset.done $0x0  }
0x64: {  	[sflag:s18] =	ssyncadd.s32 $0xFFFFB800  }
0x65: {  	[spmem:s2] =	stream.indirect.scatter.add.f32 [tilespmem:s13], [sflag:$0x3], $0x90, s15, s16, $0xb8;
	[tilespmem:$0x1FB80] =	vst v63  }
0x66: {  	_ =	swait.ge [sflag:s14], $0x4800  }
0x67: {  	[sflag:s14] =	ssyncset.done $0x0  }
0x68: {  	[sflag:s14] =	ssyncadd.s32 $0xFFFFB800  }
0x69: {  	[tilespmem:s13], [sflag:$0x1] =	stream.indirect.gather [hbm4b:s4+s16], $0x90, s19, s16, $0xb8;
	[tilespmem:$0x1FB80] =	vst v63  }
0x6a: {  	_ =	swait.ge [sflag:s20], $0x4800  }
0x6b: {  	[sflag:s20] =	ssyncset.done $0x0  }
0x6c: {  	[sflag:s20] =	ssyncadd.s32 $0xFFFFB800  }
0x6d: {  	[spmem:s2] =	stream.indirect.scatter.add.f32 [tilespmem:s17], [sflag:$0x3], $0x90, s21, s16, $0xb8;
	[tilespmem:$0x1FB80] =	vst v63  }
0x6e: {  	_ =	swait.ge [sflag:s14], $0x4800  }
0x6f: {  	[sflag:s14] =	ssyncset.done $0x0  }
0x70: {  	[sflag:s14] =	ssyncadd.s32 $0xFFFFB800  }
0x71: {  	[tilespmem:s17], [sflag:$0x2] =	stream.indirect.gather [hbm4b:s4+s16], $0x90, s22, s16, $0xb8;
	[tilespmem:$0x1FB80] =	vst v63  }
0x72: {  	_ =	swait.ge [sflag:s18], $0x4800  }
0x73: {  	[sflag:s18] =	ssyncset.done $0x0  }
0x74: {  	[sflag:s18] =	ssyncadd.s32 $0xFFFFB800  }
0x75: {  	[spmem:s2] =	stream.indirect.scatter.add.f32 [tilespmem:s13], [sflag:$0x3], $0x90, s24, s16, $0xb8;
	[tilespmem:$0x1FB80] =	vst v63  }
0x76: {  	_ =	swait.ge [sflag:s14], $0x4800  }
0x77: {  	[sflag:s14] =	ssyncset.done $0x0  }
0x78: {  	[sflag:s14] =	ssyncadd.s32 $0xFFFFB800  }
0x79: {  	[tilespmem:s13], [sflag:$0x1] =	stream.indirect.gather [hbm4b:s4+s16], $0x90, s25, s16, $0xb8;
	[tilespmem:$0x1FB80] =	vst v63  }
0x7a: {  	_ =	swait.ge [sflag:s20], $0x4800  }
0x7b: {  	[sflag:s20] =	ssyncset.done $0x0  }
0x7c: {  	[sflag:s20] =	ssyncadd.s32 $0xFFFFB800  }
0x7d: {  	[spmem:s2] =	stream.indirect.scatter.add.f32 [tilespmem:s17], [sflag:$0x3], $0x90, s26, s16, $0xb8;
	[tilespmem:$0x1FB80] =	vst v63  }
0x7e: {  	_ =	swait.ge [sflag:s14], $0x4800  }
0x7f: {  	[sflag:s14] =	ssyncset.done $0x0  }
0x80: {  	[sflag:s14] =	ssyncadd.s32 $0xFFFFB800  }
0x81: {  	[tilespmem:s17], [sflag:$0x2] =	stream.indirect.gather [hbm4b:s4+s16], $0x90, s28, s16, $0xb8;
	[tilespmem:$0x1FB80] =	vst v63  }
0x82: {  	_ =	swait.ge [sflag:s18], $0x4800  }
0x83: {  	[sflag:s18] =	ssyncset.done $0x0  }
0x84: {  	[sflag:s18] =	ssyncadd.s32 $0xFFFFB800  }
0x85: {  	[spmem:s2] =	stream.indirect.scatter.add.f32 [tilespmem:s13], [sflag:$0x3], $0x90, s29, s16, $0xb8;
	[tilespmem:$0x1FB80] =	vst v63  }
0x86: {  	_ =	swait.ge [sflag:s14], $0x4800  }
0x87: {  	[sflag:s14] =	ssyncset.done $0x0  }
0x88: {  	[sflag:s14] =	ssyncadd.s32 $0xFFFFB800  }
0x89: {  	[tilespmem:s13], [sflag:$0x1] =	stream.indirect.gather [hbm4b:s4+s16], $0x90, s30, s16, $0xb8;
	[tilespmem:$0x1FB80] =	vst v63  }
0x8a: {  	_ =	swait.ge [sflag:s20], $0x4800  }
0x8b: {  	[sflag:s20] =	ssyncset.done $0x0  }
0x8c: {  	[sflag:s20] =	ssyncadd.s32 $0xFFFFB800  }
0x8d: {  	[spmem:s2] =	stream.indirect.scatter.add.f32 [tilespmem:s17], [sflag:$0x3], $0x90, s31, s16, $0xb8;
	[tilespmem:$0x1FB80] =	vst v63  }
0x8e: {  	_ =	swait.ge [sflag:s14], $0x4800  }
0x8f: {  	[sflag:s14] =	ssyncset.done $0x0  }
0x90: {  	[sflag:s14] =	ssyncadd.s32 $0xFFFFB800  }
0x91: {  	[tilespmem:s17], [sflag:$0x2] =	stream.indirect.gather [hbm4b:s4+s16], $0x90, s0, s16, $0xb8;
	[tilespmem:$0x1FB80] =	vst v63  }
0x92: {  	_ =	swait.ge [sflag:s18], $0x4800  }
0x93: {  	[sflag:s18] =	ssyncset.done $0x0  }
0x94: {  	[sflag:s18] =	ssyncadd.s32 $0xFFFFB800  }
0x95: {  	[spmem:s2] =	stream.indirect.scatter.add.f32 [tilespmem:s13], [sflag:$0x3], $0x90, s1, s16, $0xb8;
	[tilespmem:$0x1FB80] =	vst v63  }
0x96: {  	_ =	swait.ge [sflag:s14], $0x4800  }
0x97: {  	[sflag:s14] =	ssyncset.done $0x0  }
0x98: {  	[sflag:s14] =	ssyncadd.s32 $0xFFFFB800  }
0x99: {  	s9 =	sadd.s32 $0x1, s9;
	_ =	swait.ge [sflag:s20], $0x4800  }
0x9a: {  	p0 =	sne.s32 s9, $0xA;
	[sflag:s20] =	ssyncset.done $0x0  }
.Ltmp2:
0x9b: {  	[sflag:s20] =	ssyncadd.s32 $0xFFFFB800;
	(pc) =	sbr.rel @p0 .LBB2_4-.Ltmp2, $4  }
0x9c: {  	[spmem:s2] =	stream.indirect.scatter.add.f32 [tilespmem:s17], [sflag:$0x3], $0x90, s6, s16, $0xb8;
	[tilespmem:$0x1FB80] =	vst v63  }
0x9d: {  	_ =	swait.ge [sflag:s14], $0x4800  }
0x9e: {  	[sflag:s14] =	ssyncset.done $0x0  }
0x9f: {  	[sflag:s14] =	ssyncadd.s32 $0xFFFFB800  }
0xa0: {  	s5 =	stileid.u32;
	[bflag:$0x0] =	sbarrier.arrive $0xFFFF  }
0xa1: {  	s5 =	sshll.u32 s5, $0x6;
	s8 =	rddreg [dreg:$0x4]  }
0xa2: {  	s9 =	rddreg [dreg:$0xa];
	s5 =	sor.u32 $0x1C03, s5;
	s8 =	sshrl.u32 s8, $0x3  }
0xa3: {  	[hbm:s9], [sflag:s5] =	dma.local [spmem:s8], $0x2C70  }
0xa4: {  	_ =	swait.ge [sflag:s14], $0x2C70  }
0xa5: {  	s7 =	sadd.s32 $0x1, s7;
	s23 =	rddreg [dreg:$0x9]  }
0xa6: {  	p0 =	sne.s32 s7, s23  }
.Ltmp3:
0xa7: {  	_ = 	snop;
	(pc) =	sbr.rel @p0 .LBB2_1-.Ltmp3, $3  }
0xa8: {  	_ =	sdelay $0x1  }
0xa9: {  	[sflag:s14] =	ssyncset.done $0x0  }
0xaa: {  	[sflag:s14] =	ssyncadd.s32 $0xFFFFD390  }
0xab: {  	_ =	sfence.sel $0x180000  }
0xac: {  	[bflag:$0x0] =	sbarrier.arrive $0xFFFF  }
0xad: {  	_ =	strace $0x90000047  }
0xae: {  	s0 =	stileid.u32;
	[bflag:$0x2] =	sbarrier.arrive $0xFFFF  }
0xaf: {  	p0 =	sne.s32 s0, $0x0;
	s0 =	rddreg [dreg:$0x3]  }
0xb0: {  	s0 =	sadd.s32 @!p0 $0x100000, s0  }
0xb1: {  	[sflag:s0] =	ssyncadd.tile.s32 @!p0 $0x1;
	_ =	shalt  }
.Lfunc_end2:
_tile_overlayer_lowered:
.L_overlay_start_2:
0xb2: {  	(tag) =	ssettag $0x2  }
0xb3: {  	s0 =	rddreg [dreg:$0x0];
	s2 =	stileid.u32  }
0xb4: {  	s1 =	rddreg [dreg:$0x1];
	p0 =	sne.s32 s2, $0x0  }
0xb5: {  	s3 =	rddreg [dreg:$0x2];
	[bflag:$0x3] =	sbarrier.arrive $0xFFFF;
	s2 =	simm.s32 @!p0 $0x1C03  }
0xb6: {  	[timem:s3], [sflag:s2] =	dma.local @!p0 [hbm:s0], s1  }
0xb7: {  	s0 =	simm.s32 @!p0 $0x3  }
0xb8: {  	_ =	swait.ge @!p0 [sflag:s0], s1  }
0xb9: {  	s1 =	ssub.s32 @!p0 $0x0, s1;
	[sflag:s0] =	ssyncset.done @!p0 $0x0  }
0xba: {  	[sflag:s0] =	ssyncadd.s32 @!p0 s1  }
0xbb: {  	[bflag:$0x3] =	sbarrier.arrive $0xFFFF  }
0xbc: {  	_ =	shalt  }

</sc_bundles>
